<compile_context>
chip_gen: v7x
topology: tpu7x:2x2x1
jax: 0.10.2.dev20260603
libtpu: 0.0.44.dev20260713+nightly
codegen_flags: <defaults>
</compile_context>

<pallas_src>
import functools

import jax
import jax.numpy as jnp
from jax import lax
from jax.experimental import pallas as pl
from jax.experimental.pallas import tpu as pltpu
from jax.experimental.pallas import tpu_sc as plsc

B = 16384
STATE = 32
NU = 1_000_000
NI = 100_000
NC = 2
NS = 16
NW = NC * NS
BPW = B // NW
CH = 128
NCH = BPW // CH
L = 16

BLK = 65536


def _proj_body(wt_ref, y_ref, p_ref):
    wt = wt_ref[...]
    yv = y_ref[0, :].reshape(STATE, 1)
    p_ref[...] = jnp.sum(wt * yv, axis=0)


def _project(wt, y_col, n):
    grid = (n + BLK - 1) // BLK
    return pl.pallas_call(
        _proj_body,
        grid=(grid,),
        in_specs=[
            pl.BlockSpec((STATE, BLK), lambda g: (0, g)),
            pl.BlockSpec((1, STATE), lambda g: (0, 0)),
        ],
        out_specs=pl.BlockSpec((BLK,), lambda g: (g,)),
        out_shape=jax.ShapeDtypeStruct((n,), jnp.float32),
    )(wt, y_col)


def _gather_body(user_hbm, item_hbm, pu_hbm, pi_hbm, out_hbm,
                 idx_u, idx_i, val_u, val_i, out_v, sem):
    c = lax.axis_index("c")
    s = lax.axis_index("s")
    wid = s * NC + c
    base = wid * BPW

    pltpu.sync_copy(user_hbm.at[pl.ds(wid * NCH, NCH)], idx_u)
    pltpu.sync_copy(item_hbm.at[pl.ds(wid * NCH, NCH)], idx_i)

    copies = []
    for j in range(NCH):
        copies.append(pltpu.async_copy(
            pu_hbm.at[idx_u.at[j]], val_u.at[pl.ds(j * CH, CH)], sem))
        copies.append(pltpu.async_copy(
            pi_hbm.at[idx_i.at[j]], val_i.at[pl.ds(j * CH, CH)], sem))
    for cp in copies:
        cp.wait()

    for j in range(BPW // L):
        out_v[pl.ds(j * L, L)] = (val_u[pl.ds(j * L, L)]
                                  + val_i[pl.ds(j * L, L)])
    pltpu.sync_copy(out_v, out_hbm.at[pl.ds(base, BPW)])


def _gather_add(user2d, item2d, p_u, p_i):
    mesh = plsc.VectorSubcoreMesh(core_axis_name="c", subcore_axis_name="s")
    return functools.partial(
        pl.kernel,
        mesh=mesh,
        out_type=jax.ShapeDtypeStruct((B,), jnp.float32),
        scratch_types=[
            pltpu.VMEM((NCH, CH), jnp.int32),
            pltpu.VMEM((NCH, CH), jnp.int32),
            pltpu.VMEM((BPW,), jnp.float32),
            pltpu.VMEM((BPW,), jnp.float32),
            pltpu.VMEM((BPW,), jnp.float32),
            pltpu.SemaphoreType.DMA,
        ],
        compiler_params=pltpu.CompilerParams(
            needs_layout_passes=False, use_tc_tiling_on_sc=False),
    )(_gather_body)(user2d, item2d, p_u, p_i)


def kernel(user, item, W_user, W_item, Y_w):
    y_u = Y_w[:, :STATE]
    y_i = Y_w[:, STATE:]
    p_u = _project(W_user.T, y_u, NU)
    p_i = _project(W_item.T, y_i, NI)
    out = _gather_add(user.reshape(B // CH, CH), item.reshape(B // CH, CH),
                      p_u, p_i)
    return out.reshape(B, 1)

# --- scband reference (transcript-rebuilt; emitter-appended) ---
"""Pipeline reference for scband-cust-bias-63136019251563 (READ-ONLY COPY).

The authoritative reference and input builder live on the scoring server;
editing this copy changes nothing except your own understanding.
"""

import jax, jax.numpy as jnp
import numpy as np

BATCH = 16384
NUM_USER = 1000000
NUM_ITEM = 100000
STATE = 32
NUM_LABEL = 1

def setup_inputs(seed: int = 0) -> dict:
    key = jax.random.key(seed)
    k1, k2, k3, k4, k5 = jax.random.split(key, 5)
    user = jax.random.randint(k1, (BATCH,), 0, NUM_USER, dtype=jnp.int64 if jax.config.jax_enable_x64 else jnp.int32).astype(jnp.int32)
    item = jax.random.randint(k2, (BATCH,), 0, NUM_ITEM, dtype=jnp.int64 if jax.config.jax_enable_x64 else jnp.int32).astype(jnp.int32)
    W_user = jax.random.normal(k3, (NUM_USER, STATE), dtype=jnp.float32) * 0.02
    W_item = jax.random.normal(k4, (NUM_ITEM, STATE), dtype=jnp.float32) * 0.02
    Y_w = jax.random.normal(k5, (NUM_LABEL, STATE * 2), dtype=jnp.float32) * 0.02
    return {"user": user, "item": item, "W_user": W_user, "W_item": W_item, "Y_w": Y_w}

def reference(user, item, W_user, W_item, Y_w):
    # CustBias.forward: embed each meta field, concat along feature dim, then bias-free linear Y
    e_user = jnp.take(W_user, user, axis=0)   # [B, state]
    e_item = jnp.take(W_item, item, axis=0)   # [B, state]
    h = jnp.concatenate([e_user, e_item], axis=1)  # [B, 2*state]
    return h @ Y_w.T  # [B, num_label]

if __name__ == "__main__":
    import jax
    _d = setup_inputs()
    print(jax.jit(kernel)(*tuple(_d.values())))

</pallas_src>

<mosaic_0001>
#map = affine_map<(d0, d1) -> (0, 0)>
#map1 = affine_map<(d0, d1) -> (0)>
module attributes {stable_mosaic.version = 14 : i64} {
  func.func @_gather_body(%arg0: i32, %arg1: i32, %arg2: memref<128x128xi32, #tpu.memory_space<hbm>>, %arg3: memref<128x128xi32, #tpu.memory_space<hbm>>, %arg4: memref<1000000xf32, #tpu.memory_space<hbm>>, %arg5: memref<100000xf32, #tpu.memory_space<hbm>>, %arg6: memref<16384xf32, #tpu.memory_space<hbm>>, %arg7: memref<4x128xi32, #tpu.memory_space<vmem>>, %arg8: memref<4x128xi32, #tpu.memory_space<vmem>>, %arg9: memref<512xf32, #tpu.memory_space<vmem>>, %arg10: memref<512xf32, #tpu.memory_space<vmem>>, %arg11: memref<512xf32, #tpu.memory_space<vmem>>, %arg12: memref<!tpu.dma_semaphore, #tpu.memory_space<semaphore_mem>>) attributes {dimension_semantics = [#tpu.dimension_semantics<core_parallel>, #tpu.dimension_semantics<subcore_parallel>], iteration_bounds = array<i64: 2, 16>, scalar_prefetch = 0 : i64, scratch_operands = 6 : i64, tpu.core_type = #tpu.core_type<sc_vector_subcore>, window_params = [{transform_indices = #map}, {transform_indices = #map}, {transform_indices = #map1}, {transform_indices = #map1}, {transform_indices = #map1}]} {
    %mul3A = arith.constant 2 : i32
    %mul3A_0 = arith.muli %arg1, %mul3A : i32
    %add3A = arith.addi %mul3A_0, %arg0 : i32
    %mul3A_1 = arith.constant 512 : i32
    %mul3A_2 = arith.muli %add3A, %mul3A_1 : i32
    %mul3A_3 = arith.constant 4 : i32
    %mul3A_4 = arith.muli %add3A, %mul3A_3 : i32
    "tpu.region"() ({
      %run_scoped3A = tpu.sem_alloc : memref<!tpu.dma_semaphore, #tpu.memory_space<semaphore_mem>>
      %dma_start3A_355 = arith.constant 0 : i32
      %dma_start3A_356 = tpu.memref_slice %arg2[%mul3A_4, %dma_start3A_355] : memref<128x128xi32, #tpu.memory_space<hbm>> -> memref<4x128xi32, #tpu.memory_space<hbm>>
      %dma_start3A_357 = arith.constant 0 : i32
      %dma_start3A_358 = tpu.memref_slice %arg2[%mul3A_4, %dma_start3A_357] : memref<128x128xi32, #tpu.memory_space<hbm>> -> memref<4x128xi32, #tpu.memory_space<hbm>>
      tpu.enqueue_dma source(%dma_start3A_358 : memref<4x128xi32, #tpu.memory_space<hbm>>) target(%arg7 : memref<4x128xi32, #tpu.memory_space<vmem>>) target_semaphore(%run_scoped3A : memref<!tpu.dma_semaphore, #tpu.memory_space<semaphore_mem>>)
      %dma_wait3A_359 = arith.constant 0 : i32
      %dma_wait3A_360 = tpu.memref_slice %arg2[%mul3A_4, %dma_wait3A_359] : memref<128x128xi32, #tpu.memory_space<hbm>> -> memref<4x128xi32, #tpu.memory_space<hbm>>
      %dma_wait3A_361 = arith.constant 0 : i32
      %dma_wait3A_362 = tpu.memref_slice %arg2[%mul3A_4, %dma_wait3A_361] : memref<128x128xi32, #tpu.memory_space<hbm>> -> memref<4x128xi32, #tpu.memory_space<hbm>>
      tpu.wait_dma2 semaphore(%run_scoped3A : memref<!tpu.dma_semaphore, #tpu.memory_space<semaphore_mem>>) src(%dma_wait3A_362 : memref<4x128xi32, #tpu.memory_space<hbm>>) dst(%arg7 : memref<4x128xi32, #tpu.memory_space<vmem>>)
      tpu.yield
    }) : () -> ()
    %mul3A_5 = arith.constant 4 : i32
    %mul3A_6 = arith.muli %add3A, %mul3A_5 : i32
    "tpu.region"() ({
      %run_scoped3A = tpu.sem_alloc : memref<!tpu.dma_semaphore, #tpu.memory_space<semaphore_mem>>
      %dma_start3A_355 = arith.constant 0 : i32
      %dma_start3A_356 = tpu.memref_slice %arg3[%mul3A_6, %dma_start3A_355] : memref<128x128xi32, #tpu.memory_space<hbm>> -> memref<4x128xi32, #tpu.memory_space<hbm>>
      %dma_start3A_357 = arith.constant 0 : i32
      %dma_start3A_358 = tpu.memref_slice %arg3[%mul3A_6, %dma_start3A_357] : memref<128x128xi32, #tpu.memory_space<hbm>> -> memref<4x128xi32, #tpu.memory_space<hbm>>
      tpu.enqueue_dma source(%dma_start3A_358 : memref<4x128xi32, #tpu.memory_space<hbm>>) target(%arg8 : memref<4x128xi32, #tpu.memory_space<vmem>>) target_semaphore(%run_scoped3A : memref<!tpu.dma_semaphore, #tpu.memory_space<semaphore_mem>>)
      %dma_wait3A_359 = arith.constant 0 : i32
      %dma_wait3A_360 = tpu.memref_slice %arg3[%mul3A_6, %dma_wait3A_359] : memref<128x128xi32, #tpu.memory_space<hbm>> -> memref<4x128xi32, #tpu.memory_space<hbm>>
      %dma_wait3A_361 = arith.constant 0 : i32
      %dma_wait3A_362 = tpu.memref_slice %arg3[%mul3A_6, %dma_wait3A_361] : memref<128x128xi32, #tpu.memory_space<hbm>> -> memref<4x128xi32, #tpu.memory_space<hbm>>
      tpu.wait_dma2 semaphore(%run_scoped3A : memref<!tpu.dma_semaphore, #tpu.memory_space<semaphore_mem>>) src(%dma_wait3A_362 : memref<4x128xi32, #tpu.memory_space<hbm>>) dst(%arg8 : memref<4x128xi32, #tpu.memory_space<vmem>>)
      tpu.yield
    }) : () -> ()
    %dma_start3A = arith.constant 0 : i32
    %dma_start3A_7 = arith.constant 0 : i32
    %dma_start3A_8 = tpu.memref_slice %arg9[%dma_start3A_7] : memref<512xf32, #tpu.memory_space<vmem>> -> memref<128xf32, #tpu.memory_space<vmem>>
    %dma_start3A_9 = arith.constant 0 : i32
    %dma_start3A_10 = tpu.memref_slice %arg7[%dma_start3A, %dma_start3A_9] : memref<4x128xi32, #tpu.memory_space<vmem>> -> memref<1x128xi32, #tpu.memory_space<vmem>>
    %dma_start3A_11 = tpu.memref_squeeze %dma_start3A_10 : memref<1x128xi32, #tpu.memory_space<vmem>> -> memref<128xi32, #tpu.memory_space<vmem>>
    %dma_start3A_12 = arith.constant 0 : i32
    %dma_start3A_13 = tpu.memref_slice %arg4[%dma_start3A_12] : memref<1000000xf32, #tpu.memory_space<hbm>> -> memref<1000000xf32, #tpu.memory_space<hbm>>
    tpu.enqueue_indirect_dma source(%dma_start3A_13 : memref<1000000xf32, #tpu.memory_space<hbm>>) target(%dma_start3A_8 : memref<128xf32, #tpu.memory_space<vmem>>) offsets(%dma_start3A_11 : memref<128xi32, #tpu.memory_space<vmem>>) semaphore(%arg12 : memref<!tpu.dma_semaphore, #tpu.memory_space<semaphore_mem>>)
    %dma_start3A_14 = arith.constant 0 : i32
    %dma_start3A_15 = arith.constant 0 : i32
    %dma_start3A_16 = tpu.memref_slice %arg10[%dma_start3A_15] : memref<512xf32, #tpu.memory_space<vmem>> -> memref<128xf32, #tpu.memory_space<vmem>>
    %dma_start3A_17 = arith.constant 0 : i32
    %dma_start3A_18 = tpu.memref_slice %arg8[%dma_start3A_14, %dma_start3A_17] : memref<4x128xi32, #tpu.memory_space<vmem>> -> memref<1x128xi32, #tpu.memory_space<vmem>>
    %dma_start3A_19 = tpu.memref_squeeze %dma_start3A_18 : memref<1x128xi32, #tpu.memory_space<vmem>> -> memref<128xi32, #tpu.memory_space<vmem>>
    %dma_start3A_20 = arith.constant 0 : i32
    %dma_start3A_21 = tpu.memref_slice %arg5[%dma_start3A_20] : memref<100000xf32, #tpu.memory_space<hbm>> -> memref<100000xf32, #tpu.memory_space<hbm>>
    tpu.enqueue_indirect_dma source(%dma_start3A_21 : memref<100000xf32, #tpu.memory_space<hbm>>) target(%dma_start3A_16 : memref<128xf32, #tpu.memory_space<vmem>>) offsets(%dma_start3A_19 : memref<128xi32, #tpu.memory_space<vmem>>) semaphore(%arg12 : memref<!tpu.dma_semaphore, #tpu.memory_space<semaphore_mem>>)
    %dma_start3A_22 = arith.constant 1 : i32
    %dma_start3A_23 = arith.constant 128 : i32
    %dma_start3A_24 = tpu.memref_slice %arg9[%dma_start3A_23] : memref<512xf32, #tpu.memory_space<vmem>> -> memref<128xf32, #tpu.memory_space<vmem>>
    %dma_start3A_25 = arith.constant 0 : i32
    %dma_start3A_26 = tpu.memref_slice %arg7[%dma_start3A_22, %dma_start3A_25] : memref<4x128xi32, #tpu.memory_space<vmem>> -> memref<1x128xi32, #tpu.memory_space<vmem>>
    %dma_start3A_27 = tpu.memref_squeeze %dma_start3A_26 : memref<1x128xi32, #tpu.memory_space<vmem>> -> memref<128xi32, #tpu.memory_space<vmem>>
    %dma_start3A_28 = arith.constant 0 : i32
    %dma_start3A_29 = tpu.memref_slice %arg4[%dma_start3A_28] : memref<1000000xf32, #tpu.memory_space<hbm>> -> memref<1000000xf32, #tpu.memory_space<hbm>>
    tpu.enqueue_indirect_dma source(%dma_start3A_29 : memref<1000000xf32, #tpu.memory_space<hbm>>) target(%dma_start3A_24 : memref<128xf32, #tpu.memory_space<vmem>>) offsets(%dma_start3A_27 : memref<128xi32, #tpu.memory_space<vmem>>) semaphore(%arg12 : memref<!tpu.dma_semaphore, #tpu.memory_space<semaphore_mem>>)
    %dma_start3A_30 = arith.constant 1 : i32
    %dma_start3A_31 = arith.constant 128 : i32
    %dma_start3A_32 = tpu.memref_slice %arg10[%dma_start3A_31] : memref<512xf32, #tpu.memory_space<vmem>> -> memref<128xf32, #tpu.memory_space<vmem>>
    %dma_start3A_33 = arith.constant 0 : i32
    %dma_start3A_34 = tpu.memref_slice %arg8[%dma_start3A_30, %dma_start3A_33] : memref<4x128xi32, #tpu.memory_space<vmem>> -> memref<1x128xi32, #tpu.memory_space<vmem>>
    %dma_start3A_35 = tpu.memref_squeeze %dma_start3A_34 : memref<1x128xi32, #tpu.memory_space<vmem>> -> memref<128xi32, #tpu.memory_space<vmem>>
    %dma_start3A_36 = arith.constant 0 : i32
    %dma_start3A_37 = tpu.memref_slice %arg5[%dma_start3A_36] : memref<100000xf32, #tpu.memory_space<hbm>> -> memref<100000xf32, #tpu.memory_space<hbm>>
    tpu.enqueue_indirect_dma source(%dma_start3A_37 : memref<100000xf32, #tpu.memory_space<hbm>>) target(%dma_start3A_32 : memref<128xf32, #tpu.memory_space<vmem>>) offsets(%dma_start3A_35 : memref<128xi32, #tpu.memory_space<vmem>>) semaphore(%arg12 : memref<!tpu.dma_semaphore, #tpu.memory_space<semaphore_mem>>)
    %dma_start3A_38 = arith.constant 2 : i32
    %dma_start3A_39 = arith.constant 256 : i32
    %dma_start3A_40 = tpu.memref_slice %arg9[%dma_start3A_39] : memref<512xf32, #tpu.memory_space<vmem>> -> memref<128xf32, #tpu.memory_space<vmem>>
    %dma_start3A_41 = arith.constant 0 : i32
    %dma_start3A_42 = tpu.memref_slice %arg7[%dma_start3A_38, %dma_start3A_41] : memref<4x128xi32, #tpu.memory_space<vmem>> -> memref<1x128xi32, #tpu.memory_space<vmem>>
    %dma_start3A_43 = tpu.memref_squeeze %dma_start3A_42 : memref<1x128xi32, #tpu.memory_space<vmem>> -> memref<128xi32, #tpu.memory_space<vmem>>
    %dma_start3A_44 = arith.constant 0 : i32
    %dma_start3A_45 = tpu.memref_slice %arg4[%dma_start3A_44] : memref<1000000xf32, #tpu.memory_space<hbm>> -> memref<1000000xf32, #tpu.memory_space<hbm>>
    tpu.enqueue_indirect_dma source(%dma_start3A_45 : memref<1000000xf32, #tpu.memory_space<hbm>>) target(%dma_start3A_40 : memref<128xf32, #tpu.memory_space<vmem>>) offsets(%dma_start3A_43 : memref<128xi32, #tpu.memory_space<vmem>>) semaphore(%arg12 : memref<!tpu.dma_semaphore, #tpu.memory_space<semaphore_mem>>)
    %dma_start3A_46 = arith.constant 2 : i32
    %dma_start3A_47 = arith.constant 256 : i32
    %dma_start3A_48 = tpu.memref_slice %arg10[%dma_start3A_47] : memref<512xf32, #tpu.memory_space<vmem>> -> memref<128xf32, #tpu.memory_space<vmem>>
    %dma_start3A_49 = arith.constant 0 : i32
    %dma_start3A_50 = tpu.memref_slice %arg8[%dma_start3A_46, %dma_start3A_49] : memref<4x128xi32, #tpu.memory_space<vmem>> -> memref<1x128xi32, #tpu.memory_space<vmem>>
    %dma_start3A_51 = tpu.memref_squeeze %dma_start3A_50 : memref<1x128xi32, #tpu.memory_space<vmem>> -> memref<128xi32, #tpu.memory_space<vmem>>
    %dma_start3A_52 = arith.constant 0 : i32
    %dma_start3A_53 = tpu.memref_slice %arg5[%dma_start3A_52] : memref<100000xf32, #tpu.memory_space<hbm>> -> memref<100000xf32, #tpu.memory_space<hbm>>
    tpu.enqueue_indirect_dma source(%dma_start3A_53 : memref<100000xf32, #tpu.memory_space<hbm>>) target(%dma_start3A_48 : memref<128xf32, #tpu.memory_space<vmem>>) offsets(%dma_start3A_51 : memref<128xi32, #tpu.memory_space<vmem>>) semaphore(%arg12 : memref<!tpu.dma_semaphore, #tpu.memory_space<semaphore_mem>>)
    %dma_start3A_54 = arith.constant 3 : i32
    %dma_start3A_55 = arith.constant 384 : i32
    %dma_start3A_56 = tpu.memref_slice %arg9[%dma_start3A_55] : memref<512xf32, #tpu.memory_space<vmem>> -> memref<128xf32, #tpu.memory_space<vmem>>
    %dma_start3A_57 = arith.constant 0 : i32
    %dma_start3A_58 = tpu.memref_slice %arg7[%dma_start3A_54, %dma_start3A_57] : memref<4x128xi32, #tpu.memory_space<vmem>> -> memref<1x128xi32, #tpu.memory_space<vmem>>
    %dma_start3A_59 = tpu.memref_squeeze %dma_start3A_58 : memref<1x128xi32, #tpu.memory_space<vmem>> -> memref<128xi32, #tpu.memory_space<vmem>>
    %dma_start3A_60 = arith.constant 0 : i32
    %dma_start3A_61 = tpu.memref_slice %arg4[%dma_start3A_60] : memref<1000000xf32, #tpu.memory_space<hbm>> -> memref<1000000xf32, #tpu.memory_space<hbm>>
    tpu.enqueue_indirect_dma source(%dma_start3A_61 : memref<1000000xf32, #tpu.memory_space<hbm>>) target(%dma_start3A_56 : memref<128xf32, #tpu.memory_space<vmem>>) offsets(%dma_start3A_59 : memref<128xi32, #tpu.memory_space<vmem>>) semaphore(%arg12 : memref<!tpu.dma_semaphore, #tpu.memory_space<semaphore_mem>>)
    %dma_start3A_62 = arith.constant 3 : i32
    %dma_start3A_63 = arith.constant 384 : i32
    %dma_start3A_64 = tpu.memref_slice %arg10[%dma_start3A_63] : memref<512xf32, #tpu.memory_space<vmem>> -> memref<128xf32, #tpu.memory_space<vmem>>
    %dma_start3A_65 = arith.constant 0 : i32
    %dma_start3A_66 = tpu.memref_slice %arg8[%dma_start3A_62, %dma_start3A_65] : memref<4x128xi32, #tpu.memory_space<vmem>> -> memref<1x128xi32, #tpu.memory_space<vmem>>
    %dma_start3A_67 = tpu.memref_squeeze %dma_start3A_66 : memref<1x128xi32, #tpu.memory_space<vmem>> -> memref<128xi32, #tpu.memory_space<vmem>>
    %dma_start3A_68 = arith.constant 0 : i32
    %dma_start3A_69 = tpu.memref_slice %arg5[%dma_start3A_68] : memref<100000xf32, #tpu.memory_space<hbm>> -> memref<100000xf32, #tpu.memory_space<hbm>>
    tpu.enqueue_indirect_dma source(%dma_start3A_69 : memref<100000xf32, #tpu.memory_space<hbm>>) target(%dma_start3A_64 : memref<128xf32, #tpu.memory_space<vmem>>) offsets(%dma_start3A_67 : memref<128xi32, #tpu.memory_space<vmem>>) semaphore(%arg12 : memref<!tpu.dma_semaphore, #tpu.memory_space<semaphore_mem>>)
    %dma_wait3A = arith.constant 0 : i32
    %dma_wait3A_70 = arith.constant 0 : i32
    %dma_wait3A_71 = tpu.memref_slice %arg9[%dma_wait3A_70] : memref<512xf32, #tpu.memory_space<vmem>> -> memref<128xf32, #tpu.memory_space<vmem>>
    %dma_wait3A_72 = arith.constant 0 : i32
    %dma_wait3A_73 = tpu.memref_slice %arg7[%dma_wait3A, %dma_wait3A_72] : memref<4x128xi32, #tpu.memory_space<vmem>> -> memref<1x128xi32, #tpu.memory_space<vmem>>
    %dma_wait3A_74 = tpu.memref_squeeze %dma_wait3A_73 : memref<1x128xi32, #tpu.memory_space<vmem>> -> memref<128xi32, #tpu.memory_space<vmem>>
    %dma_wait3A_75 = arith.constant 0 : i32
    %dma_wait3A_76 = tpu.memref_slice %arg4[%dma_wait3A_75] : memref<1000000xf32, #tpu.memory_space<hbm>> -> memref<1000000xf32, #tpu.memory_space<hbm>>
    tpu.wait_indirect_dma semaphore(%arg12 : memref<!tpu.dma_semaphore, #tpu.memory_space<semaphore_mem>>) src(%dma_wait3A_76 : memref<1000000xf32, #tpu.memory_space<hbm>>) dst(%dma_wait3A_71 : memref<128xf32, #tpu.memory_space<vmem>>)
    %dma_wait3A_77 = arith.constant 0 : i32
    %dma_wait3A_78 = arith.constant 0 : i32
    %dma_wait3A_79 = tpu.memref_slice %arg10[%dma_wait3A_78] : memref<512xf32, #tpu.memory_space<vmem>> -> memref<128xf32, #tpu.memory_space<vmem>>
    %dma_wait3A_80 = arith.constant 0 : i32
    %dma_wait3A_81 = tpu.memref_slice %arg8[%dma_wait3A_77, %dma_wait3A_80] : memref<4x128xi32, #tpu.memory_space<vmem>> -> memref<1x128xi32, #tpu.memory_space<vmem>>
    %dma_wait3A_82 = tpu.memref_squeeze %dma_wait3A_81 : memref<1x128xi32, #tpu.memory_space<vmem>> -> memref<128xi32, #tpu.memory_space<vmem>>
    %dma_wait3A_83 = arith.constant 0 : i32
    %dma_wait3A_84 = tpu.memref_slice %arg5[%dma_wait3A_83] : memref<100000xf32, #tpu.memory_space<hbm>> -> memref<100000xf32, #tpu.memory_space<hbm>>
    tpu.wait_indirect_dma semaphore(%arg12 : memref<!tpu.dma_semaphore, #tpu.memory_space<semaphore_mem>>) src(%dma_wait3A_84 : memref<100000xf32, #tpu.memory_space<hbm>>) dst(%dma_wait3A_79 : memref<128xf32, #tpu.memory_space<vmem>>)
    %dma_wait3A_85 = arith.constant 1 : i32
    %dma_wait3A_86 = arith.constant 128 : i32
    %dma_wait3A_87 = tpu.memref_slice %arg9[%dma_wait3A_86] : memref<512xf32, #tpu.memory_space<vmem>> -> memref<128xf32, #tpu.memory_space<vmem>>
    %dma_wait3A_88 = arith.constant 0 : i32
    %dma_wait3A_89 = tpu.memref_slice %arg7[%dma_wait3A_85, %dma_wait3A_88] : memref<4x128xi32, #tpu.memory_space<vmem>> -> memref<1x128xi32, #tpu.memory_space<vmem>>
    %dma_wait3A_90 = tpu.memref_squeeze %dma_wait3A_89 : memref<1x128xi32, #tpu.memory_space<vmem>> -> memref<128xi32, #tpu.memory_space<vmem>>
    %dma_wait3A_91 = arith.constant 0 : i32
    %dma_wait3A_92 = tpu.memref_slice %arg4[%dma_wait3A_91] : memref<1000000xf32, #tpu.memory_space<hbm>> -> memref<1000000xf32, #tpu.memory_space<hbm>>
    tpu.wait_indirect_dma semaphore(%arg12 : memref<!tpu.dma_semaphore, #tpu.memory_space<semaphore_mem>>) src(%dma_wait3A_92 : memref<1000000xf32, #tpu.memory_space<hbm>>) dst(%dma_wait3A_87 : memref<128xf32, #tpu.memory_space<vmem>>)
    %dma_wait3A_93 = arith.constant 1 : i32
    %dma_wait3A_94 = arith.constant 128 : i32
    %dma_wait3A_95 = tpu.memref_slice %arg10[%dma_wait3A_94] : memref<512xf32, #tpu.memory_space<vmem>> -> memref<128xf32, #tpu.memory_space<vmem>>
    %dma_wait3A_96 = arith.constant 0 : i32
    %dma_wait3A_97 = tpu.memref_slice %arg8[%dma_wait3A_93, %dma_wait3A_96] : memref<4x128xi32, #tpu.memory_space<vmem>> -> memref<1x128xi32, #tpu.memory_space<vmem>>
    %dma_wait3A_98 = tpu.memref_squeeze %dma_wait3A_97 : memref<1x128xi32, #tpu.memory_space<vmem>> -> memref<128xi32, #tpu.memory_space<vmem>>
    %dma_wait3A_99 = arith.constant 0 : i32
    %dma_wait3A_100 = tpu.memref_slice %arg5[%dma_wait3A_99] : memref<100000xf32, #tpu.memory_space<hbm>> -> memref<100000xf32, #tpu.memory_space<hbm>>
    tpu.wait_indirect_dma semaphore(%arg12 : memref<!tpu.dma_semaphore, #tpu.memory_space<semaphore_mem>>) src(%dma_wait3A_100 : memref<100000xf32, #tpu.memory_space<hbm>>) dst(%dma_wait3A_95 : memref<128xf32, #tpu.memory_space<vmem>>)
    %dma_wait3A_101 = arith.constant 2 : i32
    %dma_wait3A_102 = arith.constant 256 : i32
    %dma_wait3A_103 = tpu.memref_slice %arg9[%dma_wait3A_102] : memref<512xf32, #tpu.memory_space<vmem>> -> memref<128xf32, #tpu.memory_space<vmem>>
    %dma_wait3A_104 = arith.constant 0 : i32
    %dma_wait3A_105 = tpu.memref_slice %arg7[%dma_wait3A_101, %dma_wait3A_104] : memref<4x128xi32, #tpu.memory_space<vmem>> -> memref<1x128xi32, #tpu.memory_space<vmem>>
    %dma_wait3A_106 = tpu.memref_squeeze %dma_wait3A_105 : memref<1x128xi32, #tpu.memory_space<vmem>> -> memref<128xi32, #tpu.memory_space<vmem>>
    %dma_wait3A_107 = arith.constant 0 : i32
    %dma_wait3A_108 = tpu.memref_slice %arg4[%dma_wait3A_107] : memref<1000000xf32, #tpu.memory_space<hbm>> -> memref<1000000xf32, #tpu.memory_space<hbm>>
    tpu.wait_indirect_dma semaphore(%arg12 : memref<!tpu.dma_semaphore, #tpu.memory_space<semaphore_mem>>) src(%dma_wait3A_108 : memref<1000000xf32, #tpu.memory_space<hbm>>) dst(%dma_wait3A_103 : memref<128xf32, #tpu.memory_space<vmem>>)
    %dma_wait3A_109 = arith.constant 2 : i32
    %dma_wait3A_110 = arith.constant 256 : i32
    %dma_wait3A_111 = tpu.memref_slice %arg10[%dma_wait3A_110] : memref<512xf32, #tpu.memory_space<vmem>> -> memref<128xf32, #tpu.memory_space<vmem>>
    %dma_wait3A_112 = arith.constant 0 : i32
    %dma_wait3A_113 = tpu.memref_slice %arg8[%dma_wait3A_109, %dma_wait3A_112] : memref<4x128xi32, #tpu.memory_space<vmem>> -> memref<1x128xi32, #tpu.memory_space<vmem>>
    %dma_wait3A_114 = tpu.memref_squeeze %dma_wait3A_113 : memref<1x128xi32, #tpu.memory_space<vmem>> -> memref<128xi32, #tpu.memory_space<vmem>>
    %dma_wait3A_115 = arith.constant 0 : i32
    %dma_wait3A_116 = tpu.memref_slice %arg5[%dma_wait3A_115] : memref<100000xf32, #tpu.memory_space<hbm>> -> memref<100000xf32, #tpu.memory_space<hbm>>
    tpu.wait_indirect_dma semaphore(%arg12 : memref<!tpu.dma_semaphore, #tpu.memory_space<semaphore_mem>>) src(%dma_wait3A_116 : memref<100000xf32, #tpu.memory_space<hbm>>) dst(%dma_wait3A_111 : memref<128xf32, #tpu.memory_space<vmem>>)
    %dma_wait3A_117 = arith.constant 3 : i32
    %dma_wait3A_118 = arith.constant 384 : i32
    %dma_wait3A_119 = tpu.memref_slice %arg9[%dma_wait3A_118] : memref<512xf32, #tpu.memory_space<vmem>> -> memref<128xf32, #tpu.memory_space<vmem>>
    %dma_wait3A_120 = arith.constant 0 : i32
    %dma_wait3A_121 = tpu.memref_slice %arg7[%dma_wait3A_117, %dma_wait3A_120] : memref<4x128xi32, #tpu.memory_space<vmem>> -> memref<1x128xi32, #tpu.memory_space<vmem>>
    %dma_wait3A_122 = tpu.memref_squeeze %dma_wait3A_121 : memref<1x128xi32, #tpu.memory_space<vmem>> -> memref<128xi32, #tpu.memory_space<vmem>>
    %dma_wait3A_123 = arith.constant 0 : i32
    %dma_wait3A_124 = tpu.memref_slice %arg4[%dma_wait3A_123] : memref<1000000xf32, #tpu.memory_space<hbm>> -> memref<1000000xf32, #tpu.memory_space<hbm>>
    tpu.wait_indirect_dma semaphore(%arg12 : memref<!tpu.dma_semaphore, #tpu.memory_space<semaphore_mem>>) src(%dma_wait3A_124 : memref<1000000xf32, #tpu.memory_space<hbm>>) dst(%dma_wait3A_119 : memref<128xf32, #tpu.memory_space<vmem>>)
    %dma_wait3A_125 = arith.constant 3 : i32
    %dma_wait3A_126 = arith.constant 384 : i32
    %dma_wait3A_127 = tpu.memref_slice %arg10[%dma_wait3A_126] : memref<512xf32, #tpu.memory_space<vmem>> -> memref<128xf32, #tpu.memory_space<vmem>>
    %dma_wait3A_128 = arith.constant 0 : i32
    %dma_wait3A_129 = tpu.memref_slice %arg8[%dma_wait3A_125, %dma_wait3A_128] : memref<4x128xi32, #tpu.memory_space<vmem>> -> memref<1x128xi32, #tpu.memory_space<vmem>>
    %dma_wait3A_130 = tpu.memref_squeeze %dma_wait3A_129 : memref<1x128xi32, #tpu.memory_space<vmem>> -> memref<128xi32, #tpu.memory_space<vmem>>
    %dma_wait3A_131 = arith.constant 0 : i32
    %dma_wait3A_132 = tpu.memref_slice %arg5[%dma_wait3A_131] : memref<100000xf32, #tpu.memory_space<hbm>> -> memref<100000xf32, #tpu.memory_space<hbm>>
    tpu.wait_indirect_dma semaphore(%arg12 : memref<!tpu.dma_semaphore, #tpu.memory_space<semaphore_mem>>) src(%dma_wait3A_132 : memref<100000xf32, #tpu.memory_space<hbm>>) dst(%dma_wait3A_127 : memref<128xf32, #tpu.memory_space<vmem>>)
    %get3A = arith.constant 0 : index
    %get3A_133 = tpu.vector_load %arg9[%get3A] {strides = array<i32>} : memref<512xf32, #tpu.memory_space<vmem>>, vector<16xf32>,
    %get3A_134 = arith.constant 0 : index
    %get3A_135 = tpu.vector_load %arg10[%get3A_134] {strides = array<i32>} : memref<512xf32, #tpu.memory_space<vmem>>, vector<16xf32>,
    %add3A_136 = arith.addf %get3A_133, %get3A_135 : vector<16xf32>
    %swap3A = arith.constant 0 : index
    %swap3A_137 = tpu.vector_load %arg11[%swap3A] {strides = array<i32>} : memref<512xf32, #tpu.memory_space<vmem>>, vector<16xf32>,
    tpu.vector_store %arg11[%swap3A], %add3A_136 {strides = array<i32>} : memref<512xf32, #tpu.memory_space<vmem>>, vector<16xf32>,
    %get3A_138 = arith.constant 16 : index
    %get3A_139 = tpu.vector_load %arg9[%get3A_138] {strides = array<i32>} : memref<512xf32, #tpu.memory_space<vmem>>, vector<16xf32>,
    %get3A_140 = arith.constant 16 : index
    %get3A_141 = tpu.vector_load %arg10[%get3A_140] {strides = array<i32>} : memref<512xf32, #tpu.memory_space<vmem>>, vector<16xf32>,
    %add3A_142 = arith.addf %get3A_139, %get3A_141 : vector<16xf32>
    %swap3A_143 = arith.constant 16 : index
    %swap3A_144 = tpu.vector_load %arg11[%swap3A_143] {strides = array<i32>} : memref<512xf32, #tpu.memory_space<vmem>>, vector<16xf32>,
    tpu.vector_store %arg11[%swap3A_143], %add3A_142 {strides = array<i32>} : memref<512xf32, #tpu.memory_space<vmem>>, vector<16xf32>,
    %get3A_145 = arith.constant 32 : index
    %get3A_146 = tpu.vector_load %arg9[%get3A_145] {strides = array<i32>} : memref<512xf32, #tpu.memory_space<vmem>>, vector<16xf32>,
    %get3A_147 = arith.constant 32 : index
    %get3A_148 = tpu.vector_load %arg10[%get3A_147] {strides = array<i32>} : memref<512xf32, #tpu.memory_space<vmem>>, vector<16xf32>,
    %add3A_149 = arith.addf %get3A_146, %get3A_148 : vector<16xf32>
    %swap3A_150 = arith.constant 32 : index
    %swap3A_151 = tpu.vector_load %arg11[%swap3A_150] {strides = array<i32>} : memref<512xf32, #tpu.memory_space<vmem>>, vector<16xf32>,
    tpu.vector_store %arg11[%swap3A_150], %add3A_149 {strides = array<i32>} : memref<512xf32, #tpu.memory_space<vmem>>, vector<16xf32>,
    %get3A_152 = arith.constant 48 : index
    %get3A_153 = tpu.vector_load %arg9[%get3A_152] {strides = array<i32>} : memref<512xf32, #tpu.memory_space<vmem>>, vector<16xf32>,
    %get3A_154 = arith.constant 48 : index
    %get3A_155 = tpu.vector_load %arg10[%get3A_154] {strides = array<i32>} : memref<512xf32, #tpu.memory_space<vmem>>, vector<16xf32>,
    %add3A_156 = arith.addf %get3A_153, %get3A_155 : vector<16xf32>
    %swap3A_157 = arith.constant 48 : index
    %swap3A_158 = tpu.vector_load %arg11[%swap3A_157] {strides = array<i32>} : memref<512xf32, #tpu.memory_space<vmem>>, vector<16xf32>,
    tpu.vector_store %arg11[%swap3A_157], %add3A_156 {strides = array<i32>} : memref<512xf32, #tpu.memory_space<vmem>>, vector<16xf32>,
    %get3A_159 = arith.constant 64 : index
    %get3A_160 = tpu.vector_load %arg9[%get3A_159] {strides = array<i32>} : memref<512xf32, #tpu.memory_space<vmem>>, vector<16xf32>,
    %get3A_161 = arith.constant 64 : index
    %get3A_162 = tpu.vector_load %arg10[%get3A_161] {strides = array<i32>} : memref<512xf32, #tpu.memory_space<vmem>>, vector<16xf32>,
    %add3A_163 = arith.addf %get3A_160, %get3A_162 : vector<16xf32>
    %swap3A_164 = arith.constant 64 : index
    %swap3A_165 = tpu.vector_load %arg11[%swap3A_164] {strides = array<i32>} : memref<512xf32, #tpu.memory_space<vmem>>, vector<16xf32>,
    tpu.vector_store %arg11[%swap3A_164], %add3A_163 {strides = array<i32>} : memref<512xf32, #tpu.memory_space<vmem>>, vector<16xf32>,
    %get3A_166 = arith.constant 80 : index
    %get3A_167 = tpu.vector_load %arg9[%get3A_166] {strides = array<i32>} : memref<512xf32, #tpu.memory_space<vmem>>, vector<16xf32>,
    %get3A_168 = arith.constant 80 : index
    %get3A_169 = tpu.vector_load %arg10[%get3A_168] {strides = array<i32>} : memref<512xf32, #tpu.memory_space<vmem>>, vector<16xf32>,
    %add3A_170 = arith.addf %get3A_167, %get3A_169 : vector<16xf32>
    %swap3A_171 = arith.constant 80 : index
    %swap3A_172 = tpu.vector_load %arg11[%swap3A_171] {strides = array<i32>} : memref<512xf32, #tpu.memory_space<vmem>>, vector<16xf32>,
    tpu.vector_store %arg11[%swap3A_171], %add3A_170 {strides = array<i32>} : memref<512xf32, #tpu.memory_space<vmem>>, vector<16xf32>,
    %get3A_173 = arith.constant 96 : index
    %get3A_174 = tpu.vector_load %arg9[%get3A_173] {strides = array<i32>} : memref<512xf32, #tpu.memory_space<vmem>>, vector<16xf32>,
    %get3A_175 = arith.constant 96 : index
    %get3A_176 = tpu.vector_load %arg10[%get3A_175] {strides = array<i32>} : memref<512xf32, #tpu.memory_space<vmem>>, vector<16xf32>,
    %add3A_177 = arith.addf %get3A_174, %get3A_176 : vector<16xf32>
    %swap3A_178 = arith.constant 96 : index
    %swap3A_179 = tpu.vector_load %arg11[%swap3A_178] {strides = array<i32>} : memref<512xf32, #tpu.memory_space<vmem>>, vector<16xf32>,
    tpu.vector_store %arg11[%swap3A_178], %add3A_177 {strides = array<i32>} : memref<512xf32, #tpu.memory_space<vmem>>, vector<16xf32>,
    %get3A_180 = arith.constant 112 : index
    %get3A_181 = tpu.vector_load %arg9[%get3A_180] {strides = array<i32>} : memref<512xf32, #tpu.memory_space<vmem>>, vector<16xf32>,
    %get3A_182 = arith.constant 112 : index
    %get3A_183 = tpu.vector_load %arg10[%get3A_182] {strides = array<i32>} : memref<512xf32, #tpu.memory_space<vmem>>, vector<16xf32>,
    %add3A_184 = arith.addf %get3A_181, %get3A_183 : vector<16xf32>
    %swap3A_185 = arith.constant 112 : index
    %swap3A_186 = tpu.vector_load %arg11[%swap3A_185] {strides = array<i32>} : memref<512xf32, #tpu.memory_space<vmem>>, vector<16xf32>,
    tpu.vector_store %arg11[%swap3A_185], %add3A_184 {strides = array<i32>} : memref<512xf32, #tpu.memory_space<vmem>>, vector<16xf32>,
    %get3A_187 = arith.constant 128 : index
    %get3A_188 = tpu.vector_load %arg9[%get3A_187] {strides = array<i32>} : memref<512xf32, #tpu.memory_space<vmem>>, vector<16xf32>,
    %get3A_189 = arith.constant 128 : index
    %get3A_190 = tpu.vector_load %arg10[%get3A_189] {strides = array<i32>} : memref<512xf32, #tpu.memory_space<vmem>>, vector<16xf32>,
    %add3A_191 = arith.addf %get3A_188, %get3A_190 : vector<16xf32>
    %swap3A_192 = arith.constant 128 : index
    %swap3A_193 = tpu.vector_load %arg11[%swap3A_192] {strides = array<i32>} : memref<512xf32, #tpu.memory_space<vmem>>, vector<16xf32>,
    tpu.vector_store %arg11[%swap3A_192], %add3A_191 {strides = array<i32>} : memref<512xf32, #tpu.memory_space<vmem>>, vector<16xf32>,
    %get3A_194 = arith.constant 144 : index
    %get3A_195 = tpu.vector_load %arg9[%get3A_194] {strides = array<i32>} : memref<512xf32, #tpu.memory_space<vmem>>, vector<16xf32>,
    %get3A_196 = arith.constant 144 : index
    %get3A_197 = tpu.vector_load %arg10[%get3A_196] {strides = array<i32>} : memref<512xf32, #tpu.memory_space<vmem>>, vector<16xf32>,
    %add3A_198 = arith.addf %get3A_195, %get3A_197 : vector<16xf32>
    %swap3A_199 = arith.constant 144 : index
    %swap3A_200 = tpu.vector_load %arg11[%swap3A_199] {strides = array<i32>} : memref<512xf32, #tpu.memory_space<vmem>>, vector<16xf32>,
    tpu.vector_store %arg11[%swap3A_199], %add3A_198 {strides = array<i32>} : memref<512xf32, #tpu.memory_space<vmem>>, vector<16xf32>,
    %get3A_201 = arith.constant 160 : index
    %get3A_202 = tpu.vector_load %arg9[%get3A_201] {strides = array<i32>} : memref<512xf32, #tpu.memory_space<vmem>>, vector<16xf32>,
    %get3A_203 = arith.constant 160 : index
    %get3A_204 = tpu.vector_load %arg10[%get3A_203] {strides = array<i32>} : memref<512xf32, #tpu.memory_space<vmem>>, vector<16xf32>,
    %add3A_205 = arith.addf %get3A_202, %get3A_204 : vector<16xf32>
    %swap3A_206 = arith.constant 160 : index
    %swap3A_207 = tpu.vector_load %arg11[%swap3A_206] {strides = array<i32>} : memref<512xf32, #tpu.memory_space<vmem>>, vector<16xf32>,
    tpu.vector_store %arg11[%swap3A_206], %add3A_205 {strides = array<i32>} : memref<512xf32, #tpu.memory_space<vmem>>, vector<16xf32>,
    %get3A_208 = arith.constant 176 : index
    %get3A_209 = tpu.vector_load %arg9[%get3A_208] {strides = array<i32>} : memref<512xf32, #tpu.memory_space<vmem>>, vector<16xf32>,
    %get3A_210 = arith.constant 176 : index
    %get3A_211 = tpu.vector_load %arg10[%get3A_210] {strides = array<i32>} : memref<512xf32, #tpu.memory_space<vmem>>, vector<16xf32>,
    %add3A_212 = arith.addf %get3A_209, %get3A_211 : vector<16xf32>
    %swap3A_213 = arith.constant 176 : index
    %swap3A_214 = tpu.vector_load %arg11[%swap3A_213] {strides = array<i32>} : memref<512xf32, #tpu.memory_space<vmem>>, vector<16xf32>,
    tpu.vector_store %arg11[%swap3A_213], %add3A_212 {strides = array<i32>} : memref<512xf32, #tpu.memory_space<vmem>>, vector<16xf32>,
    %get3A_215 = arith.constant 192 : index
    %get3A_216 = tpu.vector_load %arg9[%get3A_215] {strides = array<i32>} : memref<512xf32, #tpu.memory_space<vmem>>, vector<16xf32>,
    %get3A_217 = arith.constant 192 : index
    %get3A_218 = tpu.vector_load %arg10[%get3A_217] {strides = array<i32>} : memref<512xf32, #tpu.memory_space<vmem>>, vector<16xf32>,
    %add3A_219 = arith.addf %get3A_216, %get3A_218 : vector<16xf32>
    %swap3A_220 = arith.constant 192 : index
    %swap3A_221 = tpu.vector_load %arg11[%swap3A_220] {strides = array<i32>} : memref<512xf32, #tpu.memory_space<vmem>>, vector<16xf32>,
    tpu.vector_store %arg11[%swap3A_220], %add3A_219 {strides = array<i32>} : memref<512xf32, #tpu.memory_space<vmem>>, vector<16xf32>,
    %get3A_222 = arith.constant 208 : index
    %get3A_223 = tpu.vector_load %arg9[%get3A_222] {strides = array<i32>} : memref<512xf32, #tpu.memory_space<vmem>>, vector<16xf32>,
    %get3A_224 = arith.constant 208 : index
    %get3A_225 = tpu.vector_load %arg10[%get3A_224] {strides = array<i32>} : memref<512xf32, #tpu.memory_space<vmem>>, vector<16xf32>,
    %add3A_226 = arith.addf %get3A_223, %get3A_225 : vector<16xf32>
    %swap3A_227 = arith.constant 208 : index
    %swap3A_228 = tpu.vector_load %arg11[%swap3A_227] {strides = array<i32>} : memref<512xf32, #tpu.memory_space<vmem>>, vector<16xf32>,
    tpu.vector_store %arg11[%swap3A_227], %add3A_226 {strides = array<i32>} : memref<512xf32, #tpu.memory_space<vmem>>, vector<16xf32>,
    %get3A_229 = arith.constant 224 : index
    %get3A_230 = tpu.vector_load %arg9[%get3A_229] {strides = array<i32>} : memref<512xf32, #tpu.memory_space<vmem>>, vector<16xf32>,
    %get3A_231 = arith.constant 224 : index
    %get3A_232 = tpu.vector_load %arg10[%get3A_231] {strides = array<i32>} : memref<512xf32, #tpu.memory_space<vmem>>, vector<16xf32>,
    %add3A_233 = arith.addf %get3A_230, %get3A_232 : vector<16xf32>
    %swap3A_234 = arith.constant 224 : index
    %swap3A_235 = tpu.vector_load %arg11[%swap3A_234] {strides = array<i32>} : memref<512xf32, #tpu.memory_space<vmem>>, vector<16xf32>,
    tpu.vector_store %arg11[%swap3A_234], %add3A_233 {strides = array<i32>} : memref<512xf32, #tpu.memory_space<vmem>>, vector<16xf32>,
    %get3A_236 = arith.constant 240 : index
    %get3A_237 = tpu.vector_load %arg9[%get3A_236] {strides = array<i32>} : memref<512xf32, #tpu.memory_space<vmem>>, vector<16xf32>,
    %get3A_238 = arith.constant 240 : index
    %get3A_239 = tpu.vector_load %arg10[%get3A_238] {strides = array<i32>} : memref<512xf32, #tpu.memory_space<vmem>>, vector<16xf32>,
    %add3A_240 = arith.addf %get3A_237, %get3A_239 : vector<16xf32>
    %swap3A_241 = arith.constant 240 : index
    %swap3A_242 = tpu.vector_load %arg11[%swap3A_241] {strides = array<i32>} : memref<512xf32, #tpu.memory_space<vmem>>, vector<16xf32>,
    tpu.vector_store %arg11[%swap3A_241], %add3A_240 {strides = array<i32>} : memref<512xf32, #tpu.memory_space<vmem>>, vector<16xf32>,
    %get3A_243 = arith.constant 256 : index
    %get3A_244 = tpu.vector_load %arg9[%get3A_243] {strides = array<i32>} : memref<512xf32, #tpu.memory_space<vmem>>, vector<16xf32>,
    %get3A_245 = arith.constant 256 : index
    %get3A_246 = tpu.vector_load %arg10[%get3A_245] {strides = array<i32>} : memref<512xf32, #tpu.memory_space<vmem>>, vector<16xf32>,
    %add3A_247 = arith.addf %get3A_244, %get3A_246 : vector<16xf32>
    %swap3A_248 = arith.constant 256 : index
    %swap3A_249 = tpu.vector_load %arg11[%swap3A_248] {strides = array<i32>} : memref<512xf32, #tpu.memory_space<vmem>>, vector<16xf32>,
    tpu.vector_store %arg11[%swap3A_248], %add3A_247 {strides = array<i32>} : memref<512xf32, #tpu.memory_space<vmem>>, vector<16xf32>,
    %get3A_250 = arith.constant 272 : index
    %get3A_251 = tpu.vector_load %arg9[%get3A_250] {strides = array<i32>} : memref<512xf32, #tpu.memory_space<vmem>>, vector<16xf32>,
    %get3A_252 = arith.constant 272 : index
    %get3A_253 = tpu.vector_load %arg10[%get3A_252] {strides = array<i32>} : memref<512xf32, #tpu.memory_space<vmem>>, vector<16xf32>,
    %add3A_254 = arith.addf %get3A_251, %get3A_253 : vector<16xf32>
    %swap3A_255 = arith.constant 272 : index
    %swap3A_256 = tpu.vector_load %arg11[%swap3A_255] {strides = array<i32>} : memref<512xf32, #tpu.memory_space<vmem>>, vector<16xf32>,
    tpu.vector_store %arg11[%swap3A_255], %add3A_254 {strides = array<i32>} : memref<512xf32, #tpu.memory_space<vmem>>, vector<16xf32>,
    %get3A_257 = arith.constant 288 : index
    %get3A_258 = tpu.vector_load %arg9[%get3A_257] {strides = array<i32>} : memref<512xf32, #tpu.memory_space<vmem>>, vector<16xf32>,
    %get3A_259 = arith.constant 288 : index
    %get3A_260 = tpu.vector_load %arg10[%get3A_259] {strides = array<i32>} : memref<512xf32, #tpu.memory_space<vmem>>, vector<16xf32>,
    %add3A_261 = arith.addf %get3A_258, %get3A_260 : vector<16xf32>
    %swap3A_262 = arith.constant 288 : index
    %swap3A_263 = tpu.vector_load %arg11[%swap3A_262] {strides = array<i32>} : memref<512xf32, #tpu.memory_space<vmem>>, vector<16xf32>,
    tpu.vector_store %arg11[%swap3A_262], %add3A_261 {strides = array<i32>} : memref<512xf32, #tpu.memory_space<vmem>>, vector<16xf32>,
    %get3A_264 = arith.constant 304 : index
    %get3A_265 = tpu.vector_load %arg9[%get3A_264] {strides = array<i32>} : memref<512xf32, #tpu.memory_space<vmem>>, vector<16xf32>,
    %get3A_266 = arith.constant 304 : index
    %get3A_267 = tpu.vector_load %arg10[%get3A_266] {strides = array<i32>} : memref<512xf32, #tpu.memory_space<vmem>>, vector<16xf32>,
    %add3A_268 = arith.addf %get3A_265, %get3A_267 : vector<16xf32>
    %swap3A_269 = arith.constant 304 : index
    %swap3A_270 = tpu.vector_load %arg11[%swap3A_269] {strides = array<i32>} : memref<512xf32, #tpu.memory_space<vmem>>, vector<16xf32>,
    tpu.vector_store %arg11[%swap3A_269], %add3A_268 {strides = array<i32>} : memref<512xf32, #tpu.memory_space<vmem>>, vector<16xf32>,
    %get3A_271 = arith.constant 320 : index
    %get3A_272 = tpu.vector_load %arg9[%get3A_271] {strides = array<i32>} : memref<512xf32, #tpu.memory_space<vmem>>, vector<16xf32>,
    %get3A_273 = arith.constant 320 : index
    %get3A_274 = tpu.vector_load %arg10[%get3A_273] {strides = array<i32>} : memref<512xf32, #tpu.memory_space<vmem>>, vector<16xf32>,
    %add3A_275 = arith.addf %get3A_272, %get3A_274 : vector<16xf32>
    %swap3A_276 = arith.constant 320 : index
    %swap3A_277 = tpu.vector_load %arg11[%swap3A_276] {strides = array<i32>} : memref<512xf32, #tpu.memory_space<vmem>>, vector<16xf32>,
    tpu.vector_store %arg11[%swap3A_276], %add3A_275 {strides = array<i32>} : memref<512xf32, #tpu.memory_space<vmem>>, vector<16xf32>,
    %get3A_278 = arith.constant 336 : index
    %get3A_279 = tpu.vector_load %arg9[%get3A_278] {strides = array<i32>} : memref<512xf32, #tpu.memory_space<vmem>>, vector<16xf32>,
    %get3A_280 = arith.constant 336 : index
    %get3A_281 = tpu.vector_load %arg10[%get3A_280] {strides = array<i32>} : memref<512xf32, #tpu.memory_space<vmem>>, vector<16xf32>,
    %add3A_282 = arith.addf %get3A_279, %get3A_281 : vector<16xf32>
    %swap3A_283 = arith.constant 336 : index
    %swap3A_284 = tpu.vector_load %arg11[%swap3A_283] {strides = array<i32>} : memref<512xf32, #tpu.memory_space<vmem>>, vector<16xf32>,
    tpu.vector_store %arg11[%swap3A_283], %add3A_282 {strides = array<i32>} : memref<512xf32, #tpu.memory_space<vmem>>, vector<16xf32>,
    %get3A_285 = arith.constant 352 : index
    %get3A_286 = tpu.vector_load %arg9[%get3A_285] {strides = array<i32>} : memref<512xf32, #tpu.memory_space<vmem>>, vector<16xf32>,
    %get3A_287 = arith.constant 352 : index
    %get3A_288 = tpu.vector_load %arg10[%get3A_287] {strides = array<i32>} : memref<512xf32, #tpu.memory_space<vmem>>, vector<16xf32>,
    %add3A_289 = arith.addf %get3A_286, %get3A_288 : vector<16xf32>
    %swap3A_290 = arith.constant 352 : index
    %swap3A_291 = tpu.vector_load %arg11[%swap3A_290] {strides = array<i32>} : memref<512xf32, #tpu.memory_space<vmem>>, vector<16xf32>,
    tpu.vector_store %arg11[%swap3A_290], %add3A_289 {strides = array<i32>} : memref<512xf32, #tpu.memory_space<vmem>>, vector<16xf32>,
    %get3A_292 = arith.constant 368 : index
    %get3A_293 = tpu.vector_load %arg9[%get3A_292] {strides = array<i32>} : memref<512xf32, #tpu.memory_space<vmem>>, vector<16xf32>,
    %get3A_294 = arith.constant 368 : index
    %get3A_295 = tpu.vector_load %arg10[%get3A_294] {strides = array<i32>} : memref<512xf32, #tpu.memory_space<vmem>>, vector<16xf32>,
    %add3A_296 = arith.addf %get3A_293, %get3A_295 : vector<16xf32>
    %swap3A_297 = arith.constant 368 : index
    %swap3A_298 = tpu.vector_load %arg11[%swap3A_297] {strides = array<i32>} : memref<512xf32, #tpu.memory_space<vmem>>, vector<16xf32>,
    tpu.vector_store %arg11[%swap3A_297], %add3A_296 {strides = array<i32>} : memref<512xf32, #tpu.memory_space<vmem>>, vector<16xf32>,
    %get3A_299 = arith.constant 384 : index
    %get3A_300 = tpu.vector_load %arg9[%get3A_299] {strides = array<i32>} : memref<512xf32, #tpu.memory_space<vmem>>, vector<16xf32>,
    %get3A_301 = arith.constant 384 : index
    %get3A_302 = tpu.vector_load %arg10[%get3A_301] {strides = array<i32>} : memref<512xf32, #tpu.memory_space<vmem>>, vector<16xf32>,
    %add3A_303 = arith.addf %get3A_300, %get3A_302 : vector<16xf32>
    %swap3A_304 = arith.constant 384 : index
    %swap3A_305 = tpu.vector_load %arg11[%swap3A_304] {strides = array<i32>} : memref<512xf32, #tpu.memory_space<vmem>>, vector<16xf32>,
    tpu.vector_store %arg11[%swap3A_304], %add3A_303 {strides = array<i32>} : memref<512xf32, #tpu.memory_space<vmem>>, vector<16xf32>,
    %get3A_306 = arith.constant 400 : index
    %get3A_307 = tpu.vector_load %arg9[%get3A_306] {strides = array<i32>} : memref<512xf32, #tpu.memory_space<vmem>>, vector<16xf32>,
    %get3A_308 = arith.constant 400 : index
    %get3A_309 = tpu.vector_load %arg10[%get3A_308] {strides = array<i32>} : memref<512xf32, #tpu.memory_space<vmem>>, vector<16xf32>,
    %add3A_310 = arith.addf %get3A_307, %get3A_309 : vector<16xf32>
    %swap3A_311 = arith.constant 400 : index
    %swap3A_312 = tpu.vector_load %arg11[%swap3A_311] {strides = array<i32>} : memref<512xf32, #tpu.memory_space<vmem>>, vector<16xf32>,
    tpu.vector_store %arg11[%swap3A_311], %add3A_310 {strides = array<i32>} : memref<512xf32, #tpu.memory_space<vmem>>, vector<16xf32>,
    %get3A_313 = arith.constant 416 : index
    %get3A_314 = tpu.vector_load %arg9[%get3A_313] {strides = array<i32>} : memref<512xf32, #tpu.memory_space<vmem>>, vector<16xf32>,
    %get3A_315 = arith.constant 416 : index
    %get3A_316 = tpu.vector_load %arg10[%get3A_315] {strides = array<i32>} : memref<512xf32, #tpu.memory_space<vmem>>, vector<16xf32>,
    %add3A_317 = arith.addf %get3A_314, %get3A_316 : vector<16xf32>
    %swap3A_318 = arith.constant 416 : index
    %swap3A_319 = tpu.vector_load %arg11[%swap3A_318] {strides = array<i32>} : memref<512xf32, #tpu.memory_space<vmem>>, vector<16xf32>,
    tpu.vector_store %arg11[%swap3A_318], %add3A_317 {strides = array<i32>} : memref<512xf32, #tpu.memory_space<vmem>>, vector<16xf32>,
    %get3A_320 = arith.constant 432 : index
    %get3A_321 = tpu.vector_load %arg9[%get3A_320] {strides = array<i32>} : memref<512xf32, #tpu.memory_space<vmem>>, vector<16xf32>,
    %get3A_322 = arith.constant 432 : index
    %get3A_323 = tpu.vector_load %arg10[%get3A_322] {strides = array<i32>} : memref<512xf32, #tpu.memory_space<vmem>>, vector<16xf32>,
    %add3A_324 = arith.addf %get3A_321, %get3A_323 : vector<16xf32>
    %swap3A_325 = arith.constant 432 : index
    %swap3A_326 = tpu.vector_load %arg11[%swap3A_325] {strides = array<i32>} : memref<512xf32, #tpu.memory_space<vmem>>, vector<16xf32>,
    tpu.vector_store %arg11[%swap3A_325], %add3A_324 {strides = array<i32>} : memref<512xf32, #tpu.memory_space<vmem>>, vector<16xf32>,
    %get3A_327 = arith.constant 448 : index
    %get3A_328 = tpu.vector_load %arg9[%get3A_327] {strides = array<i32>} : memref<512xf32, #tpu.memory_space<vmem>>, vector<16xf32>,
    %get3A_329 = arith.constant 448 : index
    %get3A_330 = tpu.vector_load %arg10[%get3A_329] {strides = array<i32>} : memref<512xf32, #tpu.memory_space<vmem>>, vector<16xf32>,
    %add3A_331 = arith.addf %get3A_328, %get3A_330 : vector<16xf32>
    %swap3A_332 = arith.constant 448 : index
    %swap3A_333 = tpu.vector_load %arg11[%swap3A_332] {strides = array<i32>} : memref<512xf32, #tpu.memory_space<vmem>>, vector<16xf32>,
    tpu.vector_store %arg11[%swap3A_332], %add3A_331 {strides = array<i32>} : memref<512xf32, #tpu.memory_space<vmem>>, vector<16xf32>,
    %get3A_334 = arith.constant 464 : index
    %get3A_335 = tpu.vector_load %arg9[%get3A_334] {strides = array<i32>} : memref<512xf32, #tpu.memory_space<vmem>>, vector<16xf32>,
    %get3A_336 = arith.constant 464 : index
    %get3A_337 = tpu.vector_load %arg10[%get3A_336] {strides = array<i32>} : memref<512xf32, #tpu.memory_space<vmem>>, vector<16xf32>,
    %add3A_338 = arith.addf %get3A_335, %get3A_337 : vector<16xf32>
    %swap3A_339 = arith.constant 464 : index
    %swap3A_340 = tpu.vector_load %arg11[%swap3A_339] {strides = array<i32>} : memref<512xf32, #tpu.memory_space<vmem>>, vector<16xf32>,
    tpu.vector_store %arg11[%swap3A_339], %add3A_338 {strides = array<i32>} : memref<512xf32, #tpu.memory_space<vmem>>, vector<16xf32>,
    %get3A_341 = arith.constant 480 : index
    %get3A_342 = tpu.vector_load %arg9[%get3A_341] {strides = array<i32>} : memref<512xf32, #tpu.memory_space<vmem>>, vector<16xf32>,
    %get3A_343 = arith.constant 480 : index
    %get3A_344 = tpu.vector_load %arg10[%get3A_343] {strides = array<i32>} : memref<512xf32, #tpu.memory_space<vmem>>, vector<16xf32>,
    %add3A_345 = arith.addf %get3A_342, %get3A_344 : vector<16xf32>
    %swap3A_346 = arith.constant 480 : index
    %swap3A_347 = tpu.vector_load %arg11[%swap3A_346] {strides = array<i32>} : memref<512xf32, #tpu.memory_space<vmem>>, vector<16xf32>,
    tpu.vector_store %arg11[%swap3A_346], %add3A_345 {strides = array<i32>} : memref<512xf32, #tpu.memory_space<vmem>>, vector<16xf32>,
    %get3A_348 = arith.constant 496 : index
    %get3A_349 = tpu.vector_load %arg9[%get3A_348] {strides = array<i32>} : memref<512xf32, #tpu.memory_space<vmem>>, vector<16xf32>,
    %get3A_350 = arith.constant 496 : index
    %get3A_351 = tpu.vector_load %arg10[%get3A_350] {strides = array<i32>} : memref<512xf32, #tpu.memory_space<vmem>>, vector<16xf32>,
    %add3A_352 = arith.addf %get3A_349, %get3A_351 : vector<16xf32>
    %swap3A_353 = arith.constant 496 : index
    %swap3A_354 = tpu.vector_load %arg11[%swap3A_353] {strides = array<i32>} : memref<512xf32, #tpu.memory_space<vmem>>, vector<16xf32>,
    tpu.vector_store %arg11[%swap3A_353], %add3A_352 {strides = array<i32>} : memref<512xf32, #tpu.memory_space<vmem>>, vector<16xf32>,
    "tpu.region"() ({
      %run_scoped3A = tpu.sem_alloc : memref<!tpu.dma_semaphore, #tpu.memory_space<semaphore_mem>>
      %dma_start3A_355 = tpu.memref_slice %arg6[%mul3A_2] : memref<16384xf32, #tpu.memory_space<hbm>> -> memref<512xf32, #tpu.memory_space<hbm>>
      %dma_start3A_356 = tpu.memref_slice %arg6[%mul3A_2] : memref<16384xf32, #tpu.memory_space<hbm>> -> memref<512xf32, #tpu.memory_space<hbm>>
      tpu.enqueue_dma source(%arg11 : memref<512xf32, #tpu.memory_space<vmem>>) target(%dma_start3A_356 : memref<512xf32, #tpu.memory_space<hbm>>) target_semaphore(%run_scoped3A : memref<!tpu.dma_semaphore, #tpu.memory_space<semaphore_mem>>)
      %dma_wait3A_357 = tpu.memref_slice %arg6[%mul3A_2] : memref<16384xf32, #tpu.memory_space<hbm>> -> memref<512xf32, #tpu.memory_space<hbm>>
      %dma_wait3A_358 = tpu.memref_slice %arg6[%mul3A_2] : memref<16384xf32, #tpu.memory_space<hbm>> -> memref<512xf32, #tpu.memory_space<hbm>>
      tpu.wait_dma2 semaphore(%run_scoped3A : memref<!tpu.dma_semaphore, #tpu.memory_space<semaphore_mem>>) src(%arg11 : memref<512xf32, #tpu.memory_space<vmem>>) dst(%dma_wait3A_358 : memref<512xf32, #tpu.memory_space<hbm>>)
      tpu.yield
    }) : () -> ()
    return
  }
}

module attributes {stable_mosaic.version = 14 : i64} {
  func.func @_proj_body(%arg0: i32, %arg1: memref<32x65536xf32, #tpu.memory_space<vmem>>, %arg2: memref<1x32xf32, #tpu.memory_space<vmem>>, %arg3: memref<65536xf32, #tpu.memory_space<vmem>>) attributes {dimension_semantics = [#tpu.dimension_semantics<arbitrary>], iteration_bounds = array<i64: 2>, scalar_prefetch = 0 : i64, scratch_operands = 0 : i64, tpu.core_type = #tpu.core_type<tc>, window_params = [{transform_indices = @transform_0, window_bounds = array<i64: 32, 65536>}, {pipeline_mode = #tpu.pipeline_mode<synchronous>, transform_indices = @transform_1, window_bounds = array<i64: 1, 32>}, {transform_indices = @transform_2, window_bounds = array<i64: 65536>}]} {
    %get3A = arith.constant 0 : index
    %get3A_0 = arith.constant 0 : index
    %get3A_1 = vector.load %arg1[%get3A, %get3A_0] : memref<32x65536xf32, #tpu.memory_space<vmem>>, vector<32x65536xf32>
    %get3A_2 = arith.constant 0 : index
    %get3A_3 = arith.constant 0 : index
    %get3A_4 = vector.load %arg2[%get3A_2, %get3A_3] : memref<1x32xf32, #tpu.memory_space<vmem>>, vector<1x32xf32>
    %get3A_5 = vector.shape_cast %get3A_4 : vector<1x32xf32> to vector<32xf32>
    %reshape3A = vector.shape_cast %get3A_5 : vector<32xf32> to vector<32x1xf32>
    %mul3A = vector.broadcast %reshape3A : vector<32x1xf32> to vector<32x65536xf32>
    %mul3A_6 = arith.mulf %get3A_1, %mul3A : vector<32x65536xf32>
    %reduce_sum3A = arith.constant dense<0.000000e+00> : vector<65536xf32>
    %reduce_sum3A_7 = vector.multi_reduction <add>, %mul3A_6, %reduce_sum3A [0] : vector<32x65536xf32> to vector<65536xf32>
    %swap3A = arith.constant 0 : index
    %swap3A_8 = vector.load %arg3[%swap3A] : memref<65536xf32, #tpu.memory_space<vmem>>, vector<65536xf32>
    tpu.vector_store %arg3[%swap3A], %reduce_sum3A_7 {strides = array<i32>} : memref<65536xf32, #tpu.memory_space<vmem>>, vector<65536xf32>,
    return
  }
  func.func @transform_0(%arg0: i32) -> (i32, i32) {
    %c0_i32 = arith.constant 0 : i32
    %c0_i32_0 = arith.constant 0 : i32
    return %c0_i32, %arg0 : i32, i32
  }
  func.func @transform_1(%arg0: i32) -> (i32, i32) {
    %c0_i32 = arith.constant 0 : i32
    %c0_i32_0 = arith.constant 0 : i32
    %c0_i32_1 = arith.constant 0 : i32
    return %c0_i32, %c0_i32_0 : i32, i32
  }
  func.func @transform_2(%arg0: i32) -> i32 {
    %c0_i32 = arith.constant 0 : i32
    return %arg0 : i32
  }
}

module attributes {stable_mosaic.version = 14 : i64} {
  func.func @_proj_body(%arg0: i32, %arg1: memref<32x65536xf32, #tpu.memory_space<vmem>>, %arg2: memref<1x32xf32, #tpu.memory_space<vmem>>, %arg3: memref<65536xf32, #tpu.memory_space<vmem>>) attributes {dimension_semantics = [#tpu.dimension_semantics<arbitrary>], iteration_bounds = array<i64: 16>, scalar_prefetch = 0 : i64, scratch_operands = 0 : i64, tpu.core_type = #tpu.core_type<tc>, window_params = [{transform_indices = @transform_0, window_bounds = array<i64: 32, 65536>}, {pipeline_mode = #tpu.pipeline_mode<synchronous>, transform_indices = @transform_1, window_bounds = array<i64: 1, 32>}, {transform_indices = @transform_2, window_bounds = array<i64: 65536>}]} {
    %get3A = arith.constant 0 : index
    %get3A_0 = arith.constant 0 : index
    %get3A_1 = vector.load %arg1[%get3A, %get3A_0] : memref<32x65536xf32, #tpu.memory_space<vmem>>, vector<32x65536xf32>
    %get3A_2 = arith.constant 0 : index
    %get3A_3 = arith.constant 0 : index
    %get3A_4 = vector.load %arg2[%get3A_2, %get3A_3] : memref<1x32xf32, #tpu.memory_space<vmem>>, vector<1x32xf32>
    %get3A_5 = vector.shape_cast %get3A_4 : vector<1x32xf32> to vector<32xf32>
    %reshape3A = vector.shape_cast %get3A_5 : vector<32xf32> to vector<32x1xf32>
    %mul3A = vector.broadcast %reshape3A : vector<32x1xf32> to vector<32x65536xf32>
    %mul3A_6 = arith.mulf %get3A_1, %mul3A : vector<32x65536xf32>
    %reduce_sum3A = arith.constant dense<0.000000e+00> : vector<65536xf32>
    %reduce_sum3A_7 = vector.multi_reduction <add>, %mul3A_6, %reduce_sum3A [0] : vector<32x65536xf32> to vector<65536xf32>
    %swap3A = arith.constant 0 : index
    %swap3A_8 = vector.load %arg3[%swap3A] : memref<65536xf32, #tpu.memory_space<vmem>>, vector<65536xf32>
    tpu.vector_store %arg3[%swap3A], %reduce_sum3A_7 {strides = array<i32>} : memref<65536xf32, #tpu.memory_space<vmem>>, vector<65536xf32>,
    return
  }
  func.func @transform_0(%arg0: i32) -> (i32, i32) {
    %c0_i32 = arith.constant 0 : i32
    %c0_i32_0 = arith.constant 0 : i32
    return %c0_i32, %arg0 : i32, i32
  }
  func.func @transform_1(%arg0: i32) -> (i32, i32) {
    %c0_i32 = arith.constant 0 : i32
    %c0_i32_0 = arith.constant 0 : i32
    %c0_i32_1 = arith.constant 0 : i32
    return %c0_i32, %c0_i32_0 : i32, i32
  }
  func.func @transform_2(%arg0: i32) -> i32 {
    %c0_i32 = arith.constant 0 : i32
    return %arg0 : i32
  }
}

</mosaic_0001>

<sc_bundles>
// kernel: kernel.5.cloned.1.call-start
scs
__scs_entry_jumppad:
0x0: {  	(pc) =	sbr.rel $0x88, $3  }
0x1: {  	(tag) =	ssettag $0x0;
	lr =	simm.s32 $0x1  }
0x2: {  	[smem:$0x3F9C] =	sst lr;
	_ =	strace $0xD0000000  }
0x3: {  	_ = 	snop  }
0x4: {  	_ = 	snop  }
0x5: {  	_ = 	snop  }
0x6: {  	_ = 	snop  }
0x7: {  	_ = 	snop  }
__scs_overlays_trampoline_lowered:
0x8: {  	[smem:$0x3FAB] =	sst s0  }
0x9: {  	[smem:$0x3FAC] =	sst s1  }
0xa: {  	[smem:$0x3FAD] =	sst s2  }
0xb: {  	[smem:$0x3FAE] =	sst s3  }
0xc: {  	[smem:$0x3FAF] =	sst s4  }
0xd: {  	[smem:$0x3FB0] =	sst s5  }
0xe: {  	[smem:$0x3FB1] =	sst s6  }
0xf: {  	[smem:$0x3FB2] =	sst s7  }
0x10: {  	[smem:$0x3FB3] =	sst s8  }
0x11: {  	[smem:$0x3FB4] =	sst s9;
	s0 =	simm.s32 @!p0 $0x0  }
0x12: {  	s1 =	sld [smem:$0x3F9A];
	s0 =	simm.s32 @p0 $0x1  }
0x13: {  	[smem:$0x3FB5] =	sst s0;
	s0 =	simm.s32 @!p1 $0x0  }
0x14: {  	s2 =	sld [smem:$0x3F99];
	s0 =	simm.s32 @p1 $0x1  }
0x15: {  	[smem:$0x3FB6] =	sst s0;
	s0 =	simm.s32 @!p2 $0x0  }
0x16: {  	s3 =	sld [smem:$0x3FDB];
	s0 =	simm.s32 @p2 $0x1  }
0x17: {  	s4 =	simm.s32 $0x1BF5;
	[smem:$0x3FB8] =	sst s0  }
0x18: {  	s0 =	sld [smem:$0x3F9B];
	_ =	swait.ge [sflag:s4], $0x0  }
0x19: {  	s7 =	sld [smem:$0x3F9C]  }
0x1a: {  	s8 =	sadd.s32 $0xFFFFE003, lr  }
0x1b: {  	s9 =	sadd.s32 $0xFFFFFEF7, lr;
	s5 =	simm.s32 $0xFFFFFFFF;
	p2 =	slt.u32 s8, $0xFFFFF086  }
0x1c: {  	p1 =	slt.u32 s9, $0xF7A;
	s5 =	simm.s32 @!p2 $0x0  }
0x1d: {  	s5 =	simm.s32 @p1 $0x1;
	p0 =	seq.s32 s7, s2  }
0x1e: {  	s7 =	smul.u32 @!p0 $0xF7A, s2;
	p2 =	seq.s32 @!p0 s5, $0x0  }
0x1f: {  	s9 =	smul.u32 $0xF7A, s1;
	s8 =	simm.s32 @!p0 $0x1BF5;
	p2 =	por !p2, p0  }
0x20: {  	[sflag:s8] =	ssyncset.s32 @!p0 $0xFFFFF086;
	s6 =	sadd.s32 @!p0 s3, s7;
	s7 =	simm.s32 @!p0 $0x108  }
0x21: {  	s3 =	sadd.s32 s3, s9;
	s6 =	sadd.s32 @!p0 $0x88, s6;
	s7 =	simm.s32 @p2 $0x1082  }
0x22: {  	[simem:s7], [sflag:s8] =	dma.local @!p0 [hbm:s6], $0xF7A  }
0x23: {  	s9 =	sor.u32 $0xD0000000, s2;
	s6 =	simm.s32 $0x108;
	_ =	swait.ge @!p0 [sflag:s8], $0x0  }
0x24: {  	s3 =	sadd.s32 $0x88, s3;
	s6 =	simm.s32 @!p1 $0x1082;
	[sflag:s4] =	ssyncset.s32 $0xFFFFF086  }
0x25: {  	[simem:s6], [sflag:s4] =	dma.local [hbm:s3], $0xF7A  }
0x26: {  	[smem:$0x3F9C] =	sst s1;
	(tag) =	ssettag s2;
	_ =	strace s9  }
0x27: {  	s1 =	sld [smem:$0x3FAC]  }
0x28: {  	s2 =	sld [smem:$0x3FAD]  }
0x29: {  	s4 =	sld [smem:$0x3FAF]  }
0x2a: {  	p0 =	seq.s32 s5, $0x0;
	s5 =	sld [smem:$0x3FB0]  }
0x2b: {  	s6 =	sld [smem:$0x3FB1]  }
0x2c: {  	s7 =	sld [smem:$0x3FB2]  }
0x2d: {  	s3 =	simm.s32 $0x108;
	s8 =	sld [smem:$0x3FB3]  }
0x2e: {  	s3 =	simm.s32 @!p0 $0x1082;
	s9 =	sld [smem:$0x3FB4]  }
0x2f: {  	lr =	sadd.s32 s0, s3;
	s0 =	sld [smem:$0x3FAB]  }
0x30: {  	s3 =	sld [smem:$0x3FAE]  }
0x31: {  	[smem:$0x3FB7] =	sst s10  }
0x32: {  	s10 =	sld [smem:$0x3FB5];
	_ =	sdelay $0x3  }
0x33: {  	p0 =	seq.s32 s10, $0x1;
	s10 =	sld [smem:$0x3FB7];
	_ =	sdelay $0x3  }
0x34: {  	[smem:$0x3FB7] =	sst s10  }
0x35: {  	s10 =	sld [smem:$0x3FB6];
	_ =	sdelay $0x3  }
0x36: {  	p1 =	seq.s32 s10, $0x1;
	s10 =	sld [smem:$0x3FB7];
	_ =	sdelay $0x3  }
0x37: {  	[smem:$0x3FB7] =	sst s10  }
0x38: {  	s10 =	sld [smem:$0x3FB8]  }
0x39: {  	_ = 	snop;
	(pc) =	sbr.ind lr, $3  }
0x3a: {  	_ = 	snop  }
0x3b: {  	_ = 	snop  }
0x3c: {  	p2 =	seq.s32 s10, $0x1;
	s10 =	sld [smem:$0x3FB7]  }
0x3d: {  	_ =	shalt  }
0x3e: {  	_ =	shalt  }
0x3f: {  	_ =	shalt  }
0x40: {  	_ =	shalt  }
0x41: {  	_ =	shalt  }
0x42: {  	_ =	shalt  }
0x43: {  	_ =	shalt  }
0x44: {  	_ =	shalt  }
0x45: {  	_ =	shalt  }
0x46: {  	_ =	shalt  }
0x47: {  	_ =	shalt  }
0x48: {  	_ =	shalt  }
0x49: {  	_ =	shalt  }
0x4a: {  	_ =	shalt  }
0x4b: {  	_ =	shalt  }
0x4c: {  	_ =	shalt  }
0x4d: {  	_ =	shalt  }
0x4e: {  	_ =	shalt  }
0x4f: {  	_ =	shalt  }
0x50: {  	_ =	shalt  }
0x51: {  	_ =	shalt  }
0x52: {  	_ =	shalt  }
0x53: {  	_ =	shalt  }
0x54: {  	_ =	shalt  }
0x55: {  	_ =	shalt  }
0x56: {  	_ =	shalt  }
0x57: {  	_ =	shalt  }
0x58: {  	_ =	shalt  }
0x59: {  	_ =	shalt  }
0x5a: {  	_ =	shalt  }
0x5b: {  	_ =	shalt  }
0x5c: {  	_ =	shalt  }
0x5d: {  	_ =	shalt  }
0x5e: {  	_ =	shalt  }
0x5f: {  	_ =	shalt  }
0x60: {  	_ =	shalt  }
0x61: {  	_ =	shalt  }
0x62: {  	_ =	shalt  }
0x63: {  	_ =	shalt  }
0x64: {  	_ =	shalt  }
0x65: {  	_ =	shalt  }
0x66: {  	_ =	shalt  }
0x67: {  	_ =	shalt  }
0x68: {  	_ =	shalt  }
0x69: {  	_ =	shalt  }
0x6a: {  	_ =	shalt  }
0x6b: {  	_ =	shalt  }
0x6c: {  	_ =	shalt  }
0x6d: {  	_ =	shalt  }
0x6e: {  	_ =	shalt  }
0x6f: {  	_ =	shalt  }
0x70: {  	_ =	shalt  }
0x71: {  	_ =	shalt  }
0x72: {  	_ =	shalt  }
0x73: {  	_ =	shalt  }
0x74: {  	_ =	shalt  }
0x75: {  	_ =	shalt  }
0x76: {  	_ =	shalt  }
0x77: {  	_ =	shalt  }
0x78: {  	_ =	shalt  }
0x79: {  	_ =	shalt  }
0x7a: {  	_ =	shalt  }
0x7b: {  	_ =	shalt  }
0x7c: {  	_ =	shalt  }
0x7d: {  	_ =	shalt  }
0x7e: {  	_ =	shalt  }
0x7f: {  	_ =	shalt  }
0x80: {  	_ =	shalt  }
0x81: {  	_ =	shalt  }
0x82: {  	_ =	shalt  }
0x83: {  	_ =	shalt  }
0x84: {  	_ =	shalt  }
0x85: {  	_ =	shalt  }
0x86: {  	_ =	shalt  }
0x87: {  	_ =	shalt  }
.Lfunc_end0:
.L_simem_size_0:
called_computation_lowered:
.L_overlay_start_0:
0x88: {  	s2 =	sld [smem:$0x3FD9]  }
0x89: {  	s3 =	sld [smem:$0x3FFE];
	_ =	sdelay $0x1  }
0x8a: {  	s1 =	srdreg.scid  }
0x8b: {  	s0 =	sand.u32 $0x1, s1  }
0x8c: {  	s17 =	sshll.u32 s0, $0xA;
	s2 =	sadd.s32 s3, s2  }
0x8d: {  	s2 =	sadd.s32 s2, s17  }
0x8e: {  	[smem:$0x3FC3] =	sst s2  }
0x8f: {  	_ = 	snop  }
0x90: {  	s2 =	sld [smem:$0x3FC9]  }
0x91: {  	s18 =	sld [smem:$0x3FC8]  }
0x92: {  	s4 =	sld [smem:$0x3FD0];
	(tm) =	ssettm $0x1  }
0x93: {  	s5 =	sld [smem:$0x3FFB];
	_ =	sdelay $0x3  }
0x94: {  	_ =	strace s5  }
0x95: {  	s5 =	sld [smem:$0x3FFC];
	_ =	sdelay $0x3  }
0x96: {  	_ =	strace s5  }
0x97: {  	s5 =	sld [smem:$0x3FFD];
	_ =	sdelay $0x3  }
0x98: {  	_ =	strace s5  }
0x99: {  	_ =	strace $0x8FFFFFFF  }
0x9a: {  	s19 =	sld [smem:$0x3FDB];
	_ =	sdelay $0x1  }
0x9b: {  	s6 =	simm.s32 $_scs_section_size  }
0x9c: {  	s7 =	simm.s32 $_size__tile_overlayer_lowered;
	s8 =	simm.s32 $_tile_overlayer_lowered  }
0x9d: {  	s22 =	simm.s32 $0x1BFF;
	s21 =	sshll.u32 s8, $0x1;
	s5 =	sadd.s32 s6, s19  }
0x9e: {  	s9 =	simm.s32 $0x0;
	s20 =	sshll.u32 s7, $0x1;
	s7 =	sadd.s32 s21, s5  }
0x9f: {  	[timem:s9], [sflag:s22] =	dma.local [hbm:s7], s20  }
0xa0: {  	_ =	swait.ge [sflag:s22], s20  }
0xa1: {  	s6 =	ssub.s32 $0x0, s20;
	[sflag:s22] =	ssyncset.done $0x0  }
0xa2: {  	[sflag:s22] =	ssyncadd.s32 s6;
	_ =	sdelay $0x1  }
0xa3: {  	s23 =	simm.s32 $0x1B8B  }
0xa4: {  	_ =	swait.ge [sflag:s23], $0x1  }
0xa5: {  	[sflag:s23] =	ssyncset.done $0x0  }
0xa6: {  	s25 =	simm.s32 $0x1B8E;
	s24 =	sld [smem:$0x3FFE];
	[sflag:s23] =	ssyncadd.s32 $0xFFFFFFFF  }
0xa7: {  	s26 =	simm.s32 $execute0_lowered;
	[smem:$0x3FD2] =	sst s25  }
0xa8: {  	s7 =	sshll.u32 s26, $0x1;
	_ =	strace $0x80000046;
	[dreg:$0x1] =	wrdreg $0xFFFFFFFF  }
0xa9: {  	s28 =	simm.s32 $_size_execute0_lowered;
	s5 =	sadd.s32 s5, s7;
	[dreg:$0x0] =	wrdreg $0x0  }
0xaa: {  	s7 =	sshll.u32 s28, $0x1;
	[dreg:$0x2] =	wrdreg s5  }
0xab: {  	[dreg:$0x3] =	wrdreg s7  }
0xac: {  	[dreg:$0x4] =	wrdreg $0xC0  }
0xad: {  	_ =	task [dreg:s9], $0x5FFFF  }
0xae: {  	[dreg:$0x1] =	wrdreg $0xFFFFFFFF  }
0xaf: {  	[dreg:$0x0] =	wrdreg $0x60  }
0xb0: {  	[dreg:$0x2] =	wrdreg s2  }
0xb1: {  	[dreg:$0x3] =	wrdreg s18  }
0xb2: {  	[dreg:$0x4] =	wrdreg s24  }
0xb3: {  	[dreg:$0x5] =	wrdreg s4  }
0xb4: {  	[dreg:$0x6] =	wrdreg $0x9  }
0xb5: {  	_ =	task.clear_ibuf [dreg:s9], $0x7FFFF;
	_ =	strace $0x90000046  }
0xb6: {  	s29 =	simm.s32 $0x9;
	_ =	strace $0x80000048  }
0xb7: {  	_ =	swait.ge [sflag:s29], $0x1  }
0xb8: {  	[sflag:s29] =	ssyncadd.s32 $0xFFFFFFFF  }
0xb9: {  	_ =	strace $0x90000048  }
0xba: {  	_ =	sfence  }
0xbb: {  	s30 =	sld [smem:$0x0];
	_ =	sdelay $0x2  }
0xbc: {  	s31 =	sshll.u32 s1, $0xD;
	s1 =	sshrl.u32 s1, $0x2  }
0xbd: {  	s3 =	sand.u32 $0x4000, s31;
	s1 =	sadd.s32 s1, s30  }
0xbe: {  	s0 =	sor.u32 s3, s0;
	s1 =	sshll.u32 s1, $0x11  }
0xbf: {  	s0 =	sor.u32 s1, s0  }
0xc0: {  	s0 =	sadd.s32 $0x8F2B, s0  }
0xc1: {  	[sflag:s0] =	ssyncadd.remote.s32 $0x1  }
0xc2: {  	_ =	sfence.sel $0xFFFF  }
0xc3: {  	[dreg:$0x0] =	wrdreg $0xFFFFFFFF;
	(pc) =	sbr.abs _section_cstart, $3  }
0xc4: {  	[dreg:$0x1] =	wrdreg $0xFFFFFFFF  }
0xc5: {  	_ =	task.clear_ibuf [dreg:s9], $0x2FFFF;
	_ =	strace $0x9FFFFFFF  }
0xc6: {  	(tm) =	ssettm $0x7FFFFFFF  }
0xc7: {  	_ =	shalt  }
tec
execute0_lowered:
.L_overlay_start_1:
0x0: {  	(tag) =	ssettag $0x1  }
0x1: {  	s5 =	rddreg [dreg:$0x0]  }
0x2: {  	s6 =	rddreg [dreg:$0x1]  }
0x3: {  	s4 =	rddreg [dreg:$0x2]  }
0x4: {  	s7 =	rddreg [dreg:$0x3]  }
0x5: {  	s0 =	rddreg [dreg:$0x4]  }
0x6: {  	s2 =	simm.s32 $0x0;
	s3 =	srdreg.scid;
	s1 =	stileid.u32  }
0x7: {  	s12 =	simm.s32 $0x400;
	s13 =	simm.s32 $0x600;
	s14 =	simm.s32 $0x480  }
0x8: {  	s15 =	simm.s32 $0x280;
	s16 =	simm.s32 $0x680;
	s17 =	simm.s32 $0x100  }
0x9: {  	s18 =	simm.s32 $0x500;
	s19 =	simm.s32 $0x300;
	s20 =	simm.s32 $0x700  }
0xa: {  	s21 =	simm.s32 $0x180;
	s22 =	simm.s32 $0x580;
	s23 =	simm.s32 $0x380  }
0xb: {  	s24 =	simm.s32 $0x780;
	s25 =	simm.s32 $0x1;
	s26 =	simm.s32 $0x800  }
0xc: {  	[smem:$0x7FF] =	sst s2;
	s3 =	sand.u32 $0x1, s3;
	s9 =	sshll.u32 s1, $0x7  }
0xd: {  	_ =	strace $0x80000047;
	s8 =	ssub.s32 $0x2, s3;
	s10 =	sshll.u32 s3, $0x6  }
0xe: {  	s3 =	sadd.s32 $0x3E00, s4;
	s4 =	sadd.s32 $0xC00, s4;
	s11 =	sshrl.u32 s8, $0x1  }
0xf: {  	s9 =	sor.u32 s10, s9;
	s10 =	simm.s32 $0x200;
	s8 =	ssub.s32 s8, s11  }
0x10: {  	s5 =	sadd.s32 s5, s9;
	s6 =	sadd.s32 s6, s9;
	s7 =	sadd.s32 s7, s9  }
0x11: {  	s9 =	simm.s32 $0x2;
	s11 =	simm.s32 $0x80;
	s8 =	smax.u32 s8, $0x1  }
.LBB2_1:
0x12: {  	[tilespmem:s2], [sflag:$0x2] =	stream.linear.gather [hbm4b:s5+s2], $0x200, $0x38;
	[tilespmem:$0xA00] =	vst v63  }
0x13: {  	_ =	swait.ge [sflag:s9], $0x200  }
0x14: {  	[sflag:s9] =	ssyncset.done $0x0  }
0x15: {  	[sflag:s9] =	ssyncadd.s32 $0xFFFFFE00  }
0x16: {  	[tilespmem:s10], [sflag:$0x2] =	stream.linear.gather [hbm4b:s6+s2], $0x200, $0x38;
	[tilespmem:$0xA00] =	vst v63  }
0x17: {  	_ =	swait.ge [sflag:s9], $0x200  }
0x18: {  	[sflag:s9] =	ssyncset.done $0x0  }
0x19: {  	[sflag:s9] =	ssyncadd.s32 $0xFFFFFE00  }
0x1a: {  	[tilespmem:s12], [sflag:$0x1] =	stream.indirect.gather [hbm4b:s3+s11], $0x1, s2, s11, $0xb8;
	[tilespmem:$0xA00] =	vst v63  }
0x1b: {  	_ = 	snop  }
0x1c: {  	[tilespmem:s13], [sflag:$0x1] =	stream.indirect.gather [hbm4b:s4+s11], $0x1, s10, s11, $0xb8;
	[tilespmem:$0xA00] =	vst v63  }
0x1d: {  	_ = 	snop  }
0x1e: {  	[tilespmem:s14], [sflag:$0x1] =	stream.indirect.gather [hbm4b:s3+s11], $0x1, s11, s11, $0xb8;
	[tilespmem:$0xA00] =	vst v63  }
0x1f: {  	_ = 	snop  }
0x20: {  	[tilespmem:s16], [sflag:$0x1] =	stream.indirect.gather [hbm4b:s4+s11], $0x1, s15, s11, $0xb8;
	[tilespmem:$0xA00] =	vst v63  }
0x21: {  	_ = 	snop  }
0x22: {  	[tilespmem:s18], [sflag:$0x1] =	stream.indirect.gather [hbm4b:s3+s11], $0x1, s17, s11, $0xb8;
	[tilespmem:$0xA00] =	vst v63  }
0x23: {  	_ = 	snop  }
0x24: {  	[tilespmem:s20], [sflag:$0x1] =	stream.indirect.gather [hbm4b:s4+s11], $0x1, s19, s11, $0xb8;
	[tilespmem:$0xA00] =	vst v63  }
0x25: {  	_ = 	snop  }
0x26: {  	[tilespmem:s22], [sflag:$0x1] =	stream.indirect.gather [hbm4b:s3+s11], $0x1, s21, s11, $0xb8;
	[tilespmem:$0xA00] =	vst v63  }
0x27: {  	_ = 	snop  }
0x28: {  	[tilespmem:s24], [sflag:$0x1] =	stream.indirect.gather [hbm4b:s4+s11], $0x1, s23, s11, $0xb8;
	[tilespmem:$0xA00] =	vst v63  }
0x29: {  	_ =	swait.ge [sflag:s25], $0x80  }
0x2a: {  	[sflag:s25] =	ssyncset.done $0x0  }
0x2b: {  	[sflag:s25] =	ssyncadd.s32 $0xFFFFFF80  }
0x2c: {  	_ =	swait.ge [sflag:s25], $0x80  }
0x2d: {  	[sflag:s25] =	ssyncset.done $0x0  }
0x2e: {  	[sflag:s25] =	ssyncadd.s32 $0xFFFFFF80  }
0x2f: {  	_ =	swait.ge [sflag:s25], $0x80  }
0x30: {  	[sflag:s25] =	ssyncset.done $0x0  }
0x31: {  	[sflag:s25] =	ssyncadd.s32 $0xFFFFFF80  }
0x32: {  	_ =	swait.ge [sflag:s25], $0x80  }
0x33: {  	[sflag:s25] =	ssyncset.done $0x0  }
0x34: {  	[sflag:s25] =	ssyncadd.s32 $0xFFFFFF80  }
0x35: {  	_ =	swait.ge [sflag:s25], $0x80  }
0x36: {  	[sflag:s25] =	ssyncset.done $0x0  }
0x37: {  	[sflag:s25] =	ssyncadd.s32 $0xFFFFFF80  }
0x38: {  	_ =	swait.ge [sflag:s25], $0x80  }
0x39: {  	[sflag:s25] =	ssyncset.done $0x0  }
0x3a: {  	[sflag:s25] =	ssyncadd.s32 $0xFFFFFF80  }
0x3b: {  	_ =	swait.ge [sflag:s25], $0x80  }
0x3c: {  	[sflag:s25] =	ssyncset.done $0x0  }
0x3d: {  	[sflag:s25] =	ssyncadd.s32 $0xFFFFFF80  }
0x3e: {  	_ =	swait.ge [sflag:s25], $0x80  }
0x3f: {  	[sflag:s25] =	ssyncset.done $0x0  }
0x40: {  	[sflag:s25] =	ssyncadd.s32 $0xFFFFFF80  }
0x41: {  	v0 =	vld [tilespmem:$0x400]  }
0x42: {  	v1 =	vld [tilespmem:$0x600]  }
0x43: {  	v2 =	vld [tilespmem:$0x410]  }
0x44: {  	v3 =	vld [tilespmem:$0x610]  }
0x45: {  	v4 =	vld [tilespmem:$0x420]  }
0x46: {  	v5 =	vld [tilespmem:$0x620]  }
0x47: {  	v6 =	vld [tilespmem:$0x430]  }
0x48: {  	v7 =	vld [tilespmem:$0x630]  }
0x49: {  	v8 =	vld [tilespmem:$0x440]  }
0x4a: {  	v9 =	vld [tilespmem:$0x640]  }
0x4b: {  	v10 =	vld [tilespmem:$0x450]  }
0x4c: {  	v11 =	vld [tilespmem:$0x650]  }
0x4d: {  	v12 =	vld [tilespmem:$0x460]  }
0x4e: {  	v13 =	vld [tilespmem:$0x660]  }
0x4f: {  	v14 =	vld [tilespmem:$0x470]  }
0x50: {  	v15 =	vld [tilespmem:$0x670]  }
0x51: {  	v16 =	vld [tilespmem:$0x480]  }
0x52: {  	v17 =	vld [tilespmem:$0x680]  }
0x53: {  	v18 =	vld [tilespmem:$0x490]  }
0x54: {  	v19 =	vld [tilespmem:$0x690]  }
0x55: {  	v20 =	vld [tilespmem:$0x4A0]  }
0x56: {  	v21 =	vld [tilespmem:$0x6A0]  }
0x57: {  	v22 =	vld [tilespmem:$0x4B0]  }
0x58: {  	v23 =	vld [tilespmem:$0x6B0]  }
0x59: {  	v24 =	vld [tilespmem:$0x4C0]  }
0x5a: {  	v25 =	vld [tilespmem:$0x6C0]  }
0x5b: {  	v26 =	vld [tilespmem:$0x4D0]  }
0x5c: {  	v27 =	vld [tilespmem:$0x6D0]  }
0x5d: {  	v28 =	vld [tilespmem:$0x4E0]  }
0x5e: {  	v29 =	vld [tilespmem:$0x6E0]  }
0x5f: {  	v30 =	vld [tilespmem:$0x4F0]  }
0x60: {  	v31 =	vld [tilespmem:$0x6F0]  }
0x61: {  	v32 =	vld [tilespmem:$0x500]  }
0x62: {  	v33 =	vld [tilespmem:$0x700]  }
0x63: {  	v34 =	vld [tilespmem:$0x510]  }
0x64: {  	v35 =	vld [tilespmem:$0x710]  }
0x65: {  	v36 =	vld [tilespmem:$0x520]  }
0x66: {  	v46 =	vld [tilespmem:$0x720];
	v0 =	vadd.f32 v1, v0  }
0x67: {  	v47 =	vld [tilespmem:$0x530];
	v2 =	vadd.f32 v3, v2  }
0x68: {  	v49 =	vld [tilespmem:$0x730];
	v48 =	vadd.f32 v5, v4;
	[tilespmem:$0x800] =	vst v0  }
0x69: {  	v51 =	vld [tilespmem:$0x540];
	v50 =	vadd.f32 v7, v6;
	[tilespmem:$0x810] =	vst v2  }
0x6a: {  	v53 =	vld [tilespmem:$0x740];
	v52 =	vadd.f32 v9, v8;
	[tilespmem:$0x820] =	vst v48  }
0x6b: {  	v55 =	vld [tilespmem:$0x550];
	v54 =	vadd.f32 v11, v10;
	[tilespmem:$0x830] =	vst v50  }
0x6c: {  	v57 =	vld [tilespmem:$0x750];
	v56 =	vadd.f32 v13, v12;
	[tilespmem:$0x840] =	vst v52  }
0x6d: {  	v59 =	vld [tilespmem:$0x560];
	v58 =	vadd.f32 v15, v14;
	[tilespmem:$0x850] =	vst v54  }
0x6e: {  	v61 =	vld [tilespmem:$0x760];
	v60 =	vadd.f32 v17, v16;
	[tilespmem:$0x860] =	vst v56  }
0x6f: {  	v63 =	vld [tilespmem:$0x570];
	v62 =	vadd.f32 v19, v18;
	[tilespmem:$0x870] =	vst v58  }
0x70: {  	v37 =	vld [tilespmem:$0x5A0];
	v20 =	vadd.f32 v21, v20;
	[tilespmem:$0x880] =	vst v60  }
0x71: {  	v39 =	vld [tilespmem:$0x7A0];
	v22 =	vadd.f32 v23, v22;
	[tilespmem:$0x890] =	vst v62  }
0x72: {  	v41 =	vld [tilespmem:$0x5B0];
	v24 =	vadd.f32 v25, v24;
	[tilespmem:$0x8A0] =	vst v20  }
0x73: {  	v43 =	vld [tilespmem:$0x7B0];
	v26 =	vadd.f32 v27, v26;
	[tilespmem:$0x8B0] =	vst v22  }
0x74: {  	v45 =	vld [tilespmem:$0x5C0];
	v28 =	vadd.f32 v29, v28;
	[tilespmem:$0x8C0] =	vst v24  }
0x75: {  	v21 =	vld [tilespmem:$0x770];
	v31 =	vadd.f32 v31, v30;
	[tilespmem:$0x8D0] =	vst v26  }
0x76: {  	v23 =	vld [tilespmem:$0x580];
	v38 =	vadd.f32 v33, v32;
	[tilespmem:$0x8E0] =	vst v28  }
0x77: {  	v25 =	vld [tilespmem:$0x780];
	v40 =	vadd.f32 v35, v34;
	[tilespmem:$0x8F0] =	vst v31  }
0x78: {  	v27 =	vld [tilespmem:$0x590];
	v42 =	vadd.f32 v46, v36;
	[tilespmem:$0x900] =	vst v38  }
0x79: {  	v29 =	vld [tilespmem:$0x790];
	v44 =	vadd.f32 v49, v47;
	[tilespmem:$0x910] =	vst v40  }
0x7a: {  	v46 =	vadd.f32 v53, v51;
	v47 =	vld [tilespmem:$0x7C0];
	[tilespmem:$0x920] =	vst v42  }
0x7b: {  	v49 =	vld [tilespmem:$0x5D0];
	v1 =	vadd.f32 v43, v41;
	[tilespmem:$0x930] =	vst v44  }
0x7c: {  	v51 =	vld [tilespmem:$0x7D0];
	v48 =	vadd.f32 v57, v55;
	[tilespmem:$0x940] =	vst v46  }
0x7d: {  	v53 =	vld [tilespmem:$0x5E0];
	v50 =	vadd.f32 v61, v59;
	[tilespmem:$0x9B0] =	vst v1  }
0x7e: {  	v55 =	vld [tilespmem:$0x7E0];
	v58 =	vadd.f32 v39, v37;
	[tilespmem:$0x950] =	vst v48  }
0x7f: {  	v57 =	vld [tilespmem:$0x5F0];
	[tilespmem:$0x960] =	vst v50;
	v52 =	vadd.f32 v21, v63  }
0x80: {  	v59 =	vld [tilespmem:$0x7F0];
	[tilespmem:$0x9A0] =	vst v58;
	v54 =	vadd.f32 v25, v23  }
0x81: {  	v56 =	vadd.f32 v29, v27;
	[tilespmem:$0x970] =	vst v52  }
0x82: {  	v60 =	vadd.f32 v47, v45;
	[tilespmem:$0x980] =	vst v54  }
0x83: {  	v61 =	vadd.f32 v51, v49;
	[tilespmem:$0x990] =	vst v56  }
0x84: {  	[tilespmem:$0x9C0] =	vst v60;
	v62 =	vadd.f32 v55, v53  }
0x85: {  	[tilespmem:$0x9D0] =	vst v61;
	v63 =	vadd.f32 v59, v57  }
0x86: {  	p0 =	sne.s32 s8, $0x1;
	[tilespmem:$0x9E0] =	vst v62  }
.Ltmp0:
0x87: {  	[tilespmem:$0x9F0] =	vst v63;
	(pc) =	sbr.rel @p0 .LBB2_1-.Ltmp0, $4  }
0x88: {  	[hbm4b:s7+s2] =	stream.linear.scatter [tilespmem:s26], [sflag:$0x2], $0x200, $0x38;
	[tilespmem:$0xA00] =	vst v63  }
0x89: {  	_ =	swait.ge [sflag:s9], $0x200  }
0x8a: {  	[sflag:s9] =	ssyncset.done $0x0  }
0x8b: {  	s8 =	sadd.s32 $0xFFFFFFFF, s8;
	[sflag:s9] =	ssyncadd.s32 $0xFFFFFE00  }
0x8c: {  	_ =	sfence.sel $0x180000  }
0x8d: {  	[bflag:$0x0] =	sbarrier.arrive $0xFFFF  }
0x8e: {  	p0 =	sne.s32 s1, $0x0;
	_ =	strace $0x90000047  }
0x8f: {  	s0 =	sadd.s32 @!p0 $0x100000, s0;
	[bflag:$0x2] =	sbarrier.arrive $0xFFFF  }
0x90: {  	[sflag:s0] =	ssyncadd.tile.s32 @!p0 $0x1;
	_ =	shalt  }
.Lfunc_end2:
_tile_overlayer_lowered:
.L_overlay_start_2:
0x91: {  	(tag) =	ssettag $0x2  }
0x92: {  	s0 =	rddreg [dreg:$0x0];
	s2 =	stileid.u32  }
0x93: {  	s1 =	rddreg [dreg:$0x1];
	p0 =	sne.s32 s2, $0x0  }
0x94: {  	s3 =	rddreg [dreg:$0x2];
	[bflag:$0x3] =	sbarrier.arrive $0xFFFF;
	s2 =	simm.s32 @!p0 $0x1C02  }
0x95: {  	[timem:s3], [sflag:s2] =	dma.local @!p0 [hbm:s0], s1  }
0x96: {  	s0 =	simm.s32 @!p0 $0x2  }
0x97: {  	_ =	swait.ge @!p0 [sflag:s0], s1  }
0x98: {  	s1 =	ssub.s32 @!p0 $0x0, s1;
	[sflag:s0] =	ssyncset.done @!p0 $0x0  }
0x99: {  	[sflag:s0] =	ssyncadd.s32 @!p0 s1  }
0x9a: {  	[bflag:$0x3] =	sbarrier.arrive $0xFFFF  }
0x9b: {  	_ =	shalt  }

</sc_bundles>
